<compile_context>
chip_gen: v7x
topology: tpu7x:2x2x1
jax: 0.10.2.dev20260603
libtpu: 0.0.44.dev20260713+nightly
codegen_flags: <defaults>
</compile_context>

<pallas_src>
import functools

import jax
import jax.numpy as jnp
from jax import lax
from jax.experimental import pallas as pl
from jax.experimental.pallas import tpu as pltpu
from jax.experimental.pallas import tpu_sc as plsc

NUM_CORES = 2
NUM_SUBCORES = 16
NUM_WORKERS = NUM_CORES * NUM_SUBCORES

BBLK = 128
NBUF = 5


@functools.partial(jax.jit, static_argnames=("n_rt", "dim"))
def _sc_detile(table_t, *, n_rt, dim):
    NB = 2
    rows_per_u = dim

    @functools.partial(
        pl.kernel,
        mesh=plsc.VectorSubcoreMesh(core_axis_name="c", subcore_axis_name="s"),
        out_type=jax.ShapeDtypeStruct((n_rt * rows_per_u, BBLK), jnp.float32),
        scratch_types=[
            pltpu.VMEM((NB, dim, BBLK), jnp.float32),
            pltpu.VMEM((NB, dim, BBLK), jnp.float32),
            pltpu.SemaphoreType.DMA((NB,)),
            pltpu.SemaphoreType.DMA((NB,)),
        ],
        compiler_params=pltpu.CompilerParams(needs_layout_passes=False),
    )
    def run(tt_hbm, out_hbm, m_v, t_v, gsem, ssem):
        wid = lax.axis_index("s") * NUM_CORES + lax.axis_index("c")
        n_k = (n_rt - wid + NUM_WORKERS - 1) // NUM_WORKERS

        def start_in(u, b):
            pltpu.async_copy(
                tt_hbm.at[:, pl.ds(u * BBLK, BBLK)], m_v.at[b], gsem.at[b]
            )

        def wait_in(b):
            pltpu.make_async_copy(
                tt_hbm.at[:, pl.ds(0, BBLK)], m_v.at[b], gsem.at[b]
            ).wait()

        def start_store(u, b):
            pltpu.async_copy(
                t_v.at[b], out_hbm.at[pl.ds(u * rows_per_u, rows_per_u)],
                ssem.at[b],
            )

        def wait_store(b):
            pltpu.make_async_copy(
                t_v.at[b], out_hbm.at[pl.ds(0, rows_per_u)], ssem.at[b]
            ).wait()

        lanes = lax.iota(jnp.int32, 16)
        d_vecs = [lanes + d0 for d0 in range(0, dim, 16)]
        c127 = jnp.full((16,), BBLK - 1, jnp.int32)
        c1 = jnp.full((16,), 1, jnp.int32)
        c6 = jnp.full((16,), 6, jnp.int32)

        def transpose(b):
            @plsc.parallel_loop(0, BBLK, unroll=4)
            def body(ri0):
                ri_vec = lax.bitwise_and(lanes + ri0, c127)
                idx0 = lax.shift_right_logical(ri_vec, c1)
                half = lax.shift_left(lax.bitwise_and(ri_vec, c1), c6)
                for d_vec in d_vecs:
                    v = plsc.load_gather(m_v.at[b], [d_vec, ri_vec])
                    plsc.store_scatter(t_v.at[b], [idx0, half + d_vec], v)

        n_outer = (n_rt + NUM_WORKERS - 1) // NUM_WORKERS

        for b in range(NB):
            @pl.when(b < n_k)
            def _():
                start_in(wid + b * NUM_WORKERS, b)

        def loop(g0, carry):
            for b in range(NB):
                k = g0 * NB + b
                valid = k < n_k

                @pl.when(valid)
                def _():
                    wait_in(b)

                @pl.when(jnp.logical_and(valid, k >= NB))
                def _():
                    wait_store(b)

                @pl.when(valid)
                def _():
                    transpose(b)

                @pl.when(k + NB < n_k)
                def _():
                    start_in(wid + (k + NB) * NUM_WORKERS, b)

                @pl.when(valid)
                def _():
                    start_store(wid + k * NUM_WORKERS, b)
            return carry

        lax.fori_loop(0, (n_outer + NB - 1) // NB, loop, 0)
        for b in range(NB):
            wait_store(b)

    return run(table_t)


@functools.partial(jax.jit, static_argnames=("n_l", "dim"))
def _sc_gather(table, x4, *, n_l, dim):
    n_lt = x4.shape[0]
    n_bt = x4.shape[1]
    l_per_w = n_l * n_bt // NUM_WORKERS
    lq_per_bt = NUM_WORKERS // n_bt
    n_outer = l_per_w // NBUF
    n_dt = dim // 8

    @functools.partial(
        pl.kernel,
        mesh=plsc.VectorSubcoreMesh(core_axis_name="c", subcore_axis_name="s"),
        out_type=jax.ShapeDtypeStruct((n_l, n_dt, n_bt, 8, BBLK), jnp.float32),
        scratch_types=[
            pltpu.VMEM((2, n_lt, BBLK), jnp.int32),
            pltpu.VMEM((NBUF, BBLK, dim), jnp.float32),
            pltpu.VMEM((NBUF, n_dt, 8, BBLK + 1), jnp.float32),
            pltpu.SemaphoreType.DMA((NBUF,)),
            pltpu.SemaphoreType.DMA((NBUF,)),
        ],
        compiler_params=pltpu.CompilerParams(
            use_tc_tiling_on_sc=False, needs_layout_passes=False
        ),
    )
    def run(table_hbm, x4_hbm, out_hbm, idx_v, g_v, t_v, gsem, ssem):
        wid = lax.axis_index("s") * NUM_CORES + lax.axis_index("c")
        bt = wid // lq_per_bt
        lq = wid % lq_per_bt
        pltpu.sync_copy(x4_hbm.at[:, bt, lq], idx_v.at[0])
        pltpu.sync_copy(x4_hbm.at[:, bt, lq + lq_per_bt], idx_v.at[1])

        def start_gather(k, b):
            pltpu.async_copy(
                table_hbm.at[idx_v.at[lax.rem(k, 2), lax.div(k, 2)]],
                g_v.at[b],
                gsem.at[b],
            )

        def wait_gather(b):
            pltpu.make_async_copy(
                table_hbm.at[idx_v.at[0, 0]], g_v.at[b], gsem.at[b]
            ).wait()

        def start_store(k, b):
            pltpu.async_copy(
                t_v.at[b, :, :, pl.ds(0, BBLK)],
                out_hbm.at[lq + 4 * k, :, bt],
                ssem.at[b],
            )

        def wait_store(b):
            pltpu.make_async_copy(
                t_v.at[b, :, :, pl.ds(0, BBLK)],
                out_hbm.at[0, :, 0],
                ssem.at[b],
            ).wait()

        lanes = lax.iota(jnp.int32, 16)
        di_vec = lax.rem(lanes, jnp.full((16,), 8, jnp.int32))
        dt_base = lax.div(lanes, jnp.full((16,), 8, jnp.int32))
        dt_vecs = [dt_base + 2 * d0 for d0 in range(dim // 16)]

        def transpose(b):
            @plsc.parallel_loop(0, BBLK, unroll=8)
            def brow(bi):
                b_vec = jnp.full((16,), bi, jnp.int32)
                for d0 in range(dim // 16):
                    v = g_v[b, bi, pl.ds(d0 * 16, 16)]
                    plsc.store_scatter(
                        t_v.at[b], [dt_vecs[d0], di_vec, b_vec], v
                    )

        for b in range(NBUF):
            start_gather(b, b)

        def outer(g0, carry):
            for b in range(NBUF):
                i = g0 * NBUF + b
                wait_gather(b)

                @pl.when(g0 > 0)
                def _():
                    wait_store(b)

                transpose(b)

                @pl.when(g0 < n_outer - 1)
                def _():
                    start_gather(i + NBUF, b)

                start_store(i, b)
            return carry

        lax.fori_loop(0, n_outer, outer, 0)
        for b in range(NBUF):
            wait_store(b)

    return run(table, x4)


def kernel(x, table):
    n_b, n_l = x.shape
    vocab, dim = table.shape
    n_rt = (vocab + BBLK - 1) // BBLK
    tlin2 = _sc_detile(jnp.transpose(table), n_rt=n_rt, dim=dim)
    table_lin = tlin2.reshape(n_rt * BBLK, dim)
    x4 = (
        jnp.transpose(x)
        .reshape(n_l // 8, 8, n_b // BBLK, BBLK)
        .transpose(0, 2, 1, 3)
    )
    out5 = _sc_gather(table_lin, x4, n_l=n_l, dim=dim)
    return out5.transpose(2, 4, 0, 1, 3).reshape(n_b, n_l, dim)

# --- scband reference (transcript-rebuilt; emitter-appended) ---
"""Pipeline reference for scband-distilled-embedding-layer-72584947303051 (READ-ONLY COPY).

The authoritative reference and input builder live on the scoring server;
editing this copy changes nothing except your own understanding.
"""

import jax, jax.numpy as jnp
import numpy as np

VOCAB = 100000
DIM = 64
B = 1024
L = 200
PADDING_IDX = 0


def setup_inputs(seed: int = 0) -> dict:
    key = jax.random.key(seed)
    k_tab, k_idx = jax.random.split(key)
    # distil_embedding_weights = torch.rand(len(distil_vocab), distil_dim)
    # nn.Embedding.from_pretrained keeps the provided weights as-is (padding_idx
    # only masks the gradient, it does not zero the row on from_pretrained).
    table = jax.random.uniform(k_tab, (VOCAB, DIM), dtype=jnp.float32)
    x = jax.random.randint(k_idx, (B, L), 0, VOCAB, dtype=jnp.int32)
    return {"x": x, "table": table}


def reference(x, table):
    # forward: self.embedding(x) -> row gather from the distilled table
    return jnp.take(table, x, axis=0)

if __name__ == "__main__":
    import jax
    _d = setup_inputs()
    print(jax.jit(kernel)(*tuple(_d.values())))

</pallas_src>

<mosaic_0001>
#map = affine_map<(d0, d1) -> (0, 0)>
module attributes {stable_mosaic.version = 14 : i64} {
  func.func @run(%arg0: i32, %arg1: i32, %arg2: memref<64x100000xf32, #tpu.memory_space<hbm>>, %arg3: memref<50048x128xf32, #tpu.memory_space<hbm>>, %arg4: memref<2x64x128xf32, #tpu.memory_space<vmem>>, %arg5: memref<2x64x128xf32, #tpu.memory_space<vmem>>, %arg6: memref<2x!tpu.dma_semaphore, #tpu.memory_space<semaphore_mem>>, %arg7: memref<2x!tpu.dma_semaphore, #tpu.memory_space<semaphore_mem>>) attributes {dimension_semantics = [#tpu.dimension_semantics<core_parallel>, #tpu.dimension_semantics<subcore_parallel>], iteration_bounds = array<i64: 2, 16>, scalar_prefetch = 0 : i64, scratch_operands = 4 : i64, tpu.core_type = #tpu.core_type<sc_vector_subcore>, window_params = [{transform_indices = #map}, {transform_indices = #map}]} {
    %mul3A = arith.constant 2 : i32
    %mul3A_0 = arith.muli %arg1, %mul3A : i32
    %add3A = arith.addi %mul3A_0, %arg0 : i32
    %sub3A = arith.constant 782 : i32
    %sub3A_1 = arith.subi %sub3A, %add3A : i32
    %add3A_2 = arith.constant 32 : i32
    %add3A_3 = arith.addi %sub3A_1, %add3A_2 : i32
    %sub3A_4 = arith.constant 1 : i32
    %sub3A_5 = arith.subi %add3A_3, %sub3A_4 : i32
    %jit3A = arith.constant 32 : i32
    %div3A = arith.divsi %sub3A_5, %jit3A : i32
    %sign3A = arith.constant 0 : i32
    %sign3A_6 = arith.cmpi sgt, %sub3A_5, %sign3A : i32
    %sign3A_7 = arith.extui %sign3A_6 : i1 to i32
    %sign3A_8 = arith.constant 0 : i32
    %sign3A_9 = arith.cmpi slt, %sub3A_5, %sign3A_8 : i32
    %sign3A_10 = arith.extui %sign3A_9 : i1 to i32
    %sign3A_11 = arith.subi %sign3A_7, %sign3A_10 : i32
    %sign3A_12 = arith.constant 0 : i32
    %sign3A_13 = arith.cmpi sgt, %jit3A, %sign3A_12 : i32
    %sign3A_14 = arith.extui %sign3A_13 : i1 to i32
    %sign3A_15 = arith.constant 0 : i32
    %sign3A_16 = arith.cmpi slt, %jit3A, %sign3A_15 : i32
    %sign3A_17 = arith.extui %sign3A_16 : i1 to i32
    %sign3A_18 = arith.subi %sign3A_14, %sign3A_17 : i32
    %ne3A = arith.cmpi ne, %sign3A_11, %sign3A_18 : i32
    %rem3A = arith.remsi %sub3A_5, %jit3A : i32
    %ne3A_19 = arith.constant 0 : i32
    %ne3A_20 = arith.cmpi ne, %rem3A, %ne3A_19 : i32
    %and3A = arith.andi %ne3A, %ne3A_20 : i1
    %sub3A_21 = arith.constant 1 : i32
    %sub3A_22 = arith.subi %div3A, %sub3A_21 : i32
    %select_n3A = arith.select %and3A, %sub3A_22, %div3A : i32
    %iota3A = tpu.iota {dimensions = array<i32: 0>} : vector<16xi32>
    %add3A_23 = arith.constant 0 : i32
    %add3A_24 = vector.broadcast %add3A_23 : i32 to vector<16xi32>
    %add3A_25 = arith.addi %iota3A, %add3A_24 : vector<16xi32>
    %add3A_26 = arith.constant 16 : i32
    %add3A_27 = vector.broadcast %add3A_26 : i32 to vector<16xi32>
    %add3A_28 = arith.addi %iota3A, %add3A_27 : vector<16xi32>
    %add3A_29 = arith.constant 32 : i32
    %add3A_30 = vector.broadcast %add3A_29 : i32 to vector<16xi32>
    %add3A_31 = arith.addi %iota3A, %add3A_30 : vector<16xi32>
    %add3A_32 = arith.constant 48 : i32
    %add3A_33 = vector.broadcast %add3A_32 : i32 to vector<16xi32>
    %add3A_34 = arith.addi %iota3A, %add3A_33 : vector<16xi32>
    %broadcast_in_dim3A = arith.constant 127 : i32
    %broadcast_in_dim3A_35 = vector.broadcast %broadcast_in_dim3A : i32 to vector<16xi32>
    %broadcast_in_dim3A_36 = arith.constant 1 : i32
    %broadcast_in_dim3A_37 = vector.broadcast %broadcast_in_dim3A_36 : i32 to vector<16xi32>
    %broadcast_in_dim3A_38 = arith.constant 6 : i32
    %broadcast_in_dim3A_39 = vector.broadcast %broadcast_in_dim3A_38 : i32 to vector<16xi32>
    %gt3A = arith.constant 0 : i32
    %gt3A_40 = arith.cmpi sgt, %select_n3A, %gt3A : i32
    %convert_element_type3A = arith.extui %gt3A_40 : i1 to i32
    %cond3A = arith.constant 0 : i32
    %cond3A_41 = arith.cmpi ne, %convert_element_type3A, %cond3A : i32
    scf.if %cond3A_41 {
      %add3A_87 = arith.constant 0 : i32
      %add3A_88 = arith.addi %add3A, %add3A_87 : i32
      %mul3A_89 = arith.constant 128 : i32
      %mul3A_90 = arith.muli %add3A_88, %mul3A_89 : i32
      %dma_start3A = arith.constant 0 : i32
      %dma_start3A_91 = arith.constant 0 : i32
      %dma_start3A_92 = arith.constant 0 : i32
      %dma_start3A_93 = arith.constant 0 : i32
      %dma_start3A_94 = tpu.memref_slice %arg4[%dma_start3A, %dma_start3A_92, %dma_start3A_93] : memref<2x64x128xf32, #tpu.memory_space<vmem>> -> memref<1x64x128xf32, #tpu.memory_space<vmem>>
      %dma_start3A_95 = tpu.memref_squeeze %dma_start3A_94 : memref<1x64x128xf32, #tpu.memory_space<vmem>> -> memref<64x128xf32, #tpu.memory_space<vmem>>
      %dma_start3A_96 = arith.constant 0 : i32
      %dma_start3A_97 = tpu.memref_slice %arg2[%dma_start3A_96, %mul3A_90] : memref<64x100000xf32, #tpu.memory_space<hbm>> -> memref<64x128xf32, #tpu.memory_space<hbm>>
      %dma_start3A_98 = tpu.memref_slice %arg6[%dma_start3A_91] : memref<2x!tpu.dma_semaphore, #tpu.memory_space<semaphore_mem>> -> memref<1x!tpu.dma_semaphore, #tpu.memory_space<semaphore_mem>>
      %dma_start3A_99 = tpu.memref_squeeze %dma_start3A_98 : memref<1x!tpu.dma_semaphore, #tpu.memory_space<semaphore_mem>> -> memref<!tpu.dma_semaphore, #tpu.memory_space<semaphore_mem>>
      %dma_start3A_100 = arith.constant 0 : i32
      %dma_start3A_101 = arith.constant 0 : i32
      %dma_start3A_102 = tpu.memref_slice %arg4[%dma_start3A, %dma_start3A_100, %dma_start3A_101] : memref<2x64x128xf32, #tpu.memory_space<vmem>> -> memref<1x64x128xf32, #tpu.memory_space<vmem>>
      %dma_start3A_103 = tpu.memref_squeeze %dma_start3A_102 : memref<1x64x128xf32, #tpu.memory_space<vmem>> -> memref<64x128xf32, #tpu.memory_space<vmem>>
      %dma_start3A_104 = arith.constant 0 : i32
      %dma_start3A_105 = tpu.memref_slice %arg2[%dma_start3A_104, %mul3A_90] : memref<64x100000xf32, #tpu.memory_space<hbm>> -> memref<64x128xf32, #tpu.memory_space<hbm>>
      tpu.enqueue_dma source(%dma_start3A_105 : memref<64x128xf32, #tpu.memory_space<hbm>>) target(%dma_start3A_103 : memref<64x128xf32, #tpu.memory_space<vmem>>) target_semaphore(%dma_start3A_99 : memref<!tpu.dma_semaphore, #tpu.memory_space<semaphore_mem>>)
    } else {
    }
    %gt3A_42 = arith.constant 1 : i32
    %gt3A_43 = arith.cmpi sgt, %select_n3A, %gt3A_42 : i32
    %convert_element_type3A_44 = arith.extui %gt3A_43 : i1 to i32
    %cond3A_45 = arith.constant 0 : i32
    %cond3A_46 = arith.cmpi ne, %convert_element_type3A_44, %cond3A_45 : i32
    scf.if %cond3A_46 {
      %add3A_87 = arith.constant 32 : i32
      %add3A_88 = arith.addi %add3A, %add3A_87 : i32
      %mul3A_89 = arith.constant 128 : i32
      %mul3A_90 = arith.muli %add3A_88, %mul3A_89 : i32
      %dma_start3A = arith.constant 1 : i32
      %dma_start3A_91 = arith.constant 1 : i32
      %dma_start3A_92 = arith.constant 0 : i32
      %dma_start3A_93 = arith.constant 0 : i32
      %dma_start3A_94 = tpu.memref_slice %arg4[%dma_start3A, %dma_start3A_92, %dma_start3A_93] : memref<2x64x128xf32, #tpu.memory_space<vmem>> -> memref<1x64x128xf32, #tpu.memory_space<vmem>>
      %dma_start3A_95 = tpu.memref_squeeze %dma_start3A_94 : memref<1x64x128xf32, #tpu.memory_space<vmem>> -> memref<64x128xf32, #tpu.memory_space<vmem>>
      %dma_start3A_96 = arith.constant 0 : i32
      %dma_start3A_97 = tpu.memref_slice %arg2[%dma_start3A_96, %mul3A_90] : memref<64x100000xf32, #tpu.memory_space<hbm>> -> memref<64x128xf32, #tpu.memory_space<hbm>>
      %dma_start3A_98 = tpu.memref_slice %arg6[%dma_start3A_91] : memref<2x!tpu.dma_semaphore, #tpu.memory_space<semaphore_mem>> -> memref<1x!tpu.dma_semaphore, #tpu.memory_space<semaphore_mem>>
      %dma_start3A_99 = tpu.memref_squeeze %dma_start3A_98 : memref<1x!tpu.dma_semaphore, #tpu.memory_space<semaphore_mem>> -> memref<!tpu.dma_semaphore, #tpu.memory_space<semaphore_mem>>
      %dma_start3A_100 = arith.constant 0 : i32
      %dma_start3A_101 = arith.constant 0 : i32
      %dma_start3A_102 = tpu.memref_slice %arg4[%dma_start3A, %dma_start3A_100, %dma_start3A_101] : memref<2x64x128xf32, #tpu.memory_space<vmem>> -> memref<1x64x128xf32, #tpu.memory_space<vmem>>
      %dma_start3A_103 = tpu.memref_squeeze %dma_start3A_102 : memref<1x64x128xf32, #tpu.memory_space<vmem>> -> memref<64x128xf32, #tpu.memory_space<vmem>>
      %dma_start3A_104 = arith.constant 0 : i32
      %dma_start3A_105 = tpu.memref_slice %arg2[%dma_start3A_104, %mul3A_90] : memref<64x100000xf32, #tpu.memory_space<hbm>> -> memref<64x128xf32, #tpu.memory_space<hbm>>
      tpu.enqueue_dma source(%dma_start3A_105 : memref<64x128xf32, #tpu.memory_space<hbm>>) target(%dma_start3A_103 : memref<64x128xf32, #tpu.memory_space<vmem>>) target_semaphore(%dma_start3A_99 : memref<!tpu.dma_semaphore, #tpu.memory_space<semaphore_mem>>)
    } else {
    }
    %scan3A = arith.constant 0 : i32
    %scan3A_47 = arith.constant 0 : i32
    %scan3A_48 = arith.constant 13 : i32
    %scan3A_49 = arith.addi %scan3A_47, %scan3A_48 : i32
    %scan3A_50 = arith.constant 1 : i32
    scf.for %scan3A_87 = %scan3A_47 to %scan3A_49 step %scan3A_50  : i32 {
      %mul3A_88 = arith.constant 2 : i32
      %mul3A_89 = arith.muli %scan3A_87, %mul3A_88 : i32
      %add3A_90 = arith.constant 0 : i32
      %add3A_91 = arith.addi %mul3A_89, %add3A_90 : i32
      %lt3A = arith.cmpi slt, %add3A_91, %select_n3A : i32
      %convert_element_type3A_92 = arith.extui %lt3A : i1 to i32
      %cond3A_93 = arith.constant 0 : i32
      %cond3A_94 = arith.cmpi ne, %convert_element_type3A_92, %cond3A_93 : i32
      scf.if %cond3A_94 {
        %dma_wait3A_138 = arith.constant 0 : i32
        %dma_wait3A_139 = arith.constant 0 : i32
        %dma_wait3A_140 = arith.constant 0 : i32
        %dma_wait3A_141 = arith.constant 0 : i32
        %dma_wait3A_142 = tpu.memref_slice %arg4[%dma_wait3A_138, %dma_wait3A_140, %dma_wait3A_141] : memref<2x64x128xf32, #tpu.memory_space<vmem>> -> memref<1x64x128xf32, #tpu.memory_space<vmem>>
        %dma_wait3A_143 = tpu.memref_squeeze %dma_wait3A_142 : memref<1x64x128xf32, #tpu.memory_space<vmem>> -> memref<64x128xf32, #tpu.memory_space<vmem>>
        %dma_wait3A_144 = arith.constant 0 : i32
        %dma_wait3A_145 = arith.constant 0 : i32
        %dma_wait3A_146 = tpu.memref_slice %arg2[%dma_wait3A_144, %dma_wait3A_145] : memref<64x100000xf32, #tpu.memory_space<hbm>> -> memref<64x128xf32, #tpu.memory_space<hbm>>
        %dma_wait3A_147 = tpu.memref_slice %arg6[%dma_wait3A_139] : memref<2x!tpu.dma_semaphore, #tpu.memory_space<semaphore_mem>> -> memref<1x!tpu.dma_semaphore, #tpu.memory_space<semaphore_mem>>
        %dma_wait3A_148 = tpu.memref_squeeze %dma_wait3A_147 : memref<1x!tpu.dma_semaphore, #tpu.memory_space<semaphore_mem>> -> memref<!tpu.dma_semaphore, #tpu.memory_space<semaphore_mem>>
        %dma_wait3A_149 = arith.constant 0 : i32
        %dma_wait3A_150 = arith.constant 0 : i32
        %dma_wait3A_151 = tpu.memref_slice %arg4[%dma_wait3A_138, %dma_wait3A_149, %dma_wait3A_150] : memref<2x64x128xf32, #tpu.memory_space<vmem>> -> memref<1x64x128xf32, #tpu.memory_space<vmem>>
        %dma_wait3A_152 = tpu.memref_squeeze %dma_wait3A_151 : memref<1x64x128xf32, #tpu.memory_space<vmem>> -> memref<64x128xf32, #tpu.memory_space<vmem>>
        %dma_wait3A_153 = arith.constant 0 : i32
        %dma_wait3A_154 = arith.constant 0 : i32
        %dma_wait3A_155 = tpu.memref_slice %arg2[%dma_wait3A_153, %dma_wait3A_154] : memref<64x100000xf32, #tpu.memory_space<hbm>> -> memref<64x128xf32, #tpu.memory_space<hbm>>
        tpu.wait_dma2 semaphore(%dma_wait3A_148 : memref<!tpu.dma_semaphore, #tpu.memory_space<semaphore_mem>>) src(%dma_wait3A_155 : memref<64x128xf32, #tpu.memory_space<hbm>>) dst(%dma_wait3A_152 : memref<64x128xf32, #tpu.memory_space<vmem>>)
      } else {
      }
      %ge3A = arith.constant 2 : i32
      %ge3A_95 = arith.cmpi sge, %add3A_91, %ge3A : i32
      %and3A_96 = arith.andi %lt3A, %ge3A_95 : i1
      %convert_element_type3A_97 = arith.extui %and3A_96 : i1 to i32
      %cond3A_98 = arith.constant 0 : i32
      %cond3A_99 = arith.cmpi ne, %convert_element_type3A_97, %cond3A_98 : i32
      scf.if %cond3A_99 {
        %dma_wait3A_138 = arith.constant 0 : i32
        %dma_wait3A_139 = arith.constant 0 : i32
        %dma_wait3A_140 = arith.constant 0 : i32
        %dma_wait3A_141 = arith.constant 0 : i32
        %dma_wait3A_142 = tpu.memref_slice %arg5[%dma_wait3A_138, %dma_wait3A_140, %dma_wait3A_141] : memref<2x64x128xf32, #tpu.memory_space<vmem>> -> memref<1x64x128xf32, #tpu.memory_space<vmem>>
        %dma_wait3A_143 = tpu.memref_squeeze %dma_wait3A_142 : memref<1x64x128xf32, #tpu.memory_space<vmem>> -> memref<64x128xf32, #tpu.memory_space<vmem>>
        %dma_wait3A_144 = arith.constant 0 : i32
        %dma_wait3A_145 = arith.constant 0 : i32
        %dma_wait3A_146 = tpu.memref_slice %arg3[%dma_wait3A_144, %dma_wait3A_145] : memref<50048x128xf32, #tpu.memory_space<hbm>> -> memref<64x128xf32, #tpu.memory_space<hbm>>
        %dma_wait3A_147 = tpu.memref_slice %arg7[%dma_wait3A_139] : memref<2x!tpu.dma_semaphore, #tpu.memory_space<semaphore_mem>> -> memref<1x!tpu.dma_semaphore, #tpu.memory_space<semaphore_mem>>
        %dma_wait3A_148 = tpu.memref_squeeze %dma_wait3A_147 : memref<1x!tpu.dma_semaphore, #tpu.memory_space<semaphore_mem>> -> memref<!tpu.dma_semaphore, #tpu.memory_space<semaphore_mem>>
        %dma_wait3A_149 = arith.constant 0 : i32
        %dma_wait3A_150 = arith.constant 0 : i32
        %dma_wait3A_151 = tpu.memref_slice %arg3[%dma_wait3A_149, %dma_wait3A_150] : memref<50048x128xf32, #tpu.memory_space<hbm>> -> memref<64x128xf32, #tpu.memory_space<hbm>>
        %dma_wait3A_152 = arith.constant 0 : i32
        %dma_wait3A_153 = arith.constant 0 : i32
        %dma_wait3A_154 = tpu.memref_slice %arg5[%dma_wait3A_138, %dma_wait3A_152, %dma_wait3A_153] : memref<2x64x128xf32, #tpu.memory_space<vmem>> -> memref<1x64x128xf32, #tpu.memory_space<vmem>>
        %dma_wait3A_155 = tpu.memref_squeeze %dma_wait3A_154 : memref<1x64x128xf32, #tpu.memory_space<vmem>> -> memref<64x128xf32, #tpu.memory_space<vmem>>
        tpu.wait_dma2 semaphore(%dma_wait3A_148 : memref<!tpu.dma_semaphore, #tpu.memory_space<semaphore_mem>>) src(%dma_wait3A_155 : memref<64x128xf32, #tpu.memory_space<vmem>>) dst(%dma_wait3A_151 : memref<64x128xf32, #tpu.memory_space<hbm>>)
      } else {
      }
      %convert_element_type3A_100 = arith.extui %lt3A : i1 to i32
      %cond3A_101 = arith.constant 0 : i32
      %cond3A_102 = arith.cmpi ne, %convert_element_type3A_100, %cond3A_101 : i32
      scf.if %cond3A_102 {
        %parallel_loop3A = arith.constant 0 : i32
        %parallel_loop3A_138 = arith.constant 128 : i32
        %parallel_loop3A_139 = arith.constant 1 : i32
        scf.for %parallel_loop3A_140 = %parallel_loop3A to %parallel_loop3A_138 step %parallel_loop3A_139  : i32 {
          %parallel_loop3A_141 = vector.broadcast %parallel_loop3A_140 : i32 to vector<16xi32>
          %parallel_loop3A_142 = arith.addi %iota3A, %parallel_loop3A_141 : vector<16xi32>
          %parallel_loop3A_143 = arith.andi %parallel_loop3A_142, %broadcast_in_dim3A_35 : vector<16xi32>
          %parallel_loop3A_144 = arith.shrui %parallel_loop3A_143, %broadcast_in_dim3A_37 : vector<16xi32>
          %parallel_loop3A_145 = arith.andi %parallel_loop3A_143, %broadcast_in_dim3A_37 : vector<16xi32>
          %parallel_loop3A_146 = arith.shli %parallel_loop3A_145, %broadcast_in_dim3A_39 : vector<16xi32>
          %parallel_loop3A_147 = arith.constant 0 : i32
          %parallel_loop3A_148 = arith.constant 0 : i32
          %parallel_loop3A_149 = arith.constant 0 : i32
          %parallel_loop3A_150 = tpu.memref_slice %arg4[%parallel_loop3A_147, %parallel_loop3A_148, %parallel_loop3A_149] : memref<2x64x128xf32, #tpu.memory_space<vmem>> -> memref<1x64x128xf32, #tpu.memory_space<vmem>>
          %parallel_loop3A_151 = tpu.memref_squeeze %parallel_loop3A_150 : memref<1x64x128xf32, #tpu.memory_space<vmem>> -> memref<64x128xf32, #tpu.memory_space<vmem>>
          %parallel_loop3A_152 = tpu.vector_load_idx %parallel_loop3A_151[%add3A_25, %parallel_loop3A_143] : memref<64x128xf32, #tpu.memory_space<vmem>>[vector<16xi32>, vector<16xi32>], vector<16xf32>,
          %parallel_loop3A_153 = arith.addi %parallel_loop3A_146, %add3A_25 : vector<16xi32>
          %parallel_loop3A_154 = arith.constant 0 : i32
          %parallel_loop3A_155 = arith.constant 0 : i32
          %parallel_loop3A_156 = arith.constant 0 : i32
          %parallel_loop3A_157 = tpu.memref_slice %arg5[%parallel_loop3A_154, %parallel_loop3A_155, %parallel_loop3A_156] : memref<2x64x128xf32, #tpu.memory_space<vmem>> -> memref<1x64x128xf32, #tpu.memory_space<vmem>>
          %parallel_loop3A_158 = tpu.memref_squeeze %parallel_loop3A_157 : memref<1x64x128xf32, #tpu.memory_space<vmem>> -> memref<64x128xf32, #tpu.memory_space<vmem>>
          tpu.vector_store_idx %parallel_loop3A_158[%parallel_loop3A_144, %parallel_loop3A_153], %parallel_loop3A_152 : memref<64x128xf32, #tpu.memory_space<vmem>>[vector<16xi32>, vector<16xi32>], vector<16xf32>,
          %parallel_loop3A_159 = arith.constant 0 : i32
          %parallel_loop3A_160 = arith.constant 0 : i32
          %parallel_loop3A_161 = arith.constant 0 : i32
          %parallel_loop3A_162 = tpu.memref_slice %arg4[%parallel_loop3A_159, %parallel_loop3A_160, %parallel_loop3A_161] : memref<2x64x128xf32, #tpu.memory_space<vmem>> -> memref<1x64x128xf32, #tpu.memory_space<vmem>>
          %parallel_loop3A_163 = tpu.memref_squeeze %parallel_loop3A_162 : memref<1x64x128xf32, #tpu.memory_space<vmem>> -> memref<64x128xf32, #tpu.memory_space<vmem>>
          %parallel_loop3A_164 = tpu.vector_load_idx %parallel_loop3A_163[%add3A_28, %parallel_loop3A_143] : memref<64x128xf32, #tpu.memory_space<vmem>>[vector<16xi32>, vector<16xi32>], vector<16xf32>,
          %parallel_loop3A_165 = arith.addi %parallel_loop3A_146, %add3A_28 : vector<16xi32>
          %parallel_loop3A_166 = arith.constant 0 : i32
          %parallel_loop3A_167 = arith.constant 0 : i32
          %parallel_loop3A_168 = arith.constant 0 : i32
          %parallel_loop3A_169 = tpu.memref_slice %arg5[%parallel_loop3A_166, %parallel_loop3A_167, %parallel_loop3A_168] : memref<2x64x128xf32, #tpu.memory_space<vmem>> -> memref<1x64x128xf32, #tpu.memory_space<vmem>>
          %parallel_loop3A_170 = tpu.memref_squeeze %parallel_loop3A_169 : memref<1x64x128xf32, #tpu.memory_space<vmem>> -> memref<64x128xf32, #tpu.memory_space<vmem>>
          tpu.vector_store_idx %parallel_loop3A_170[%parallel_loop3A_144, %parallel_loop3A_165], %parallel_loop3A_164 : memref<64x128xf32, #tpu.memory_space<vmem>>[vector<16xi32>, vector<16xi32>], vector<16xf32>,
          %parallel_loop3A_171 = arith.constant 0 : i32
          %parallel_loop3A_172 = arith.constant 0 : i32
          %parallel_loop3A_173 = arith.constant 0 : i32
          %parallel_loop3A_174 = tpu.memref_slice %arg4[%parallel_loop3A_171, %parallel_loop3A_172, %parallel_loop3A_173] : memref<2x64x128xf32, #tpu.memory_space<vmem>> -> memref<1x64x128xf32, #tpu.memory_space<vmem>>
          %parallel_loop3A_175 = tpu.memref_squeeze %parallel_loop3A_174 : memref<1x64x128xf32, #tpu.memory_space<vmem>> -> memref<64x128xf32, #tpu.memory_space<vmem>>
          %parallel_loop3A_176 = tpu.vector_load_idx %parallel_loop3A_175[%add3A_31, %parallel_loop3A_143] : memref<64x128xf32, #tpu.memory_space<vmem>>[vector<16xi32>, vector<16xi32>], vector<16xf32>,
          %parallel_loop3A_177 = arith.addi %parallel_loop3A_146, %add3A_31 : vector<16xi32>
          %parallel_loop3A_178 = arith.constant 0 : i32
          %parallel_loop3A_179 = arith.constant 0 : i32
          %parallel_loop3A_180 = arith.constant 0 : i32
          %parallel_loop3A_181 = tpu.memref_slice %arg5[%parallel_loop3A_178, %parallel_loop3A_179, %parallel_loop3A_180] : memref<2x64x128xf32, #tpu.memory_space<vmem>> -> memref<1x64x128xf32, #tpu.memory_space<vmem>>
          %parallel_loop3A_182 = tpu.memref_squeeze %parallel_loop3A_181 : memref<1x64x128xf32, #tpu.memory_space<vmem>> -> memref<64x128xf32, #tpu.memory_space<vmem>>
          tpu.vector_store_idx %parallel_loop3A_182[%parallel_loop3A_144, %parallel_loop3A_177], %parallel_loop3A_176 : memref<64x128xf32, #tpu.memory_space<vmem>>[vector<16xi32>, vector<16xi32>], vector<16xf32>,
          %parallel_loop3A_183 = arith.constant 0 : i32
          %parallel_loop3A_184 = arith.constant 0 : i32
          %parallel_loop3A_185 = arith.constant 0 : i32
          %parallel_loop3A_186 = tpu.memref_slice %arg4[%parallel_loop3A_183, %parallel_loop3A_184, %parallel_loop3A_185] : memref<2x64x128xf32, #tpu.memory_space<vmem>> -> memref<1x64x128xf32, #tpu.memory_space<vmem>>
          %parallel_loop3A_187 = tpu.memref_squeeze %parallel_loop3A_186 : memref<1x64x128xf32, #tpu.memory_space<vmem>> -> memref<64x128xf32, #tpu.memory_space<vmem>>
          %parallel_loop3A_188 = tpu.vector_load_idx %parallel_loop3A_187[%add3A_34, %parallel_loop3A_143] : memref<64x128xf32, #tpu.memory_space<vmem>>[vector<16xi32>, vector<16xi32>], vector<16xf32>,
          %parallel_loop3A_189 = arith.addi %parallel_loop3A_146, %add3A_34 : vector<16xi32>
          %parallel_loop3A_190 = arith.constant 0 : i32
          %parallel_loop3A_191 = arith.constant 0 : i32
          %parallel_loop3A_192 = arith.constant 0 : i32
          %parallel_loop3A_193 = tpu.memref_slice %arg5[%parallel_loop3A_190, %parallel_loop3A_191, %parallel_loop3A_192] : memref<2x64x128xf32, #tpu.memory_space<vmem>> -> memref<1x64x128xf32, #tpu.memory_space<vmem>>
          %parallel_loop3A_194 = tpu.memref_squeeze %parallel_loop3A_193 : memref<1x64x128xf32, #tpu.memory_space<vmem>> -> memref<64x128xf32, #tpu.memory_space<vmem>>
          tpu.vector_store_idx %parallel_loop3A_194[%parallel_loop3A_144, %parallel_loop3A_189], %parallel_loop3A_188 : memref<64x128xf32, #tpu.memory_space<vmem>>[vector<16xi32>, vector<16xi32>], vector<16xf32>,
        } {sc.loop_unroll_factor = 4 : i64, sc.parallel_access}
      } else {
      }
      %add3A_103 = arith.constant 2 : i32
      %add3A_104 = arith.addi %add3A_91, %add3A_103 : i32
      %lt3A_105 = arith.cmpi slt, %add3A_104, %select_n3A : i32
      %convert_element_type3A_106 = arith.extui %lt3A_105 : i1 to i32
      %cond3A_107 = arith.constant 0 : i32
      %cond3A_108 = arith.cmpi ne, %convert_element_type3A_106, %cond3A_107 : i32
      scf.if %cond3A_108 {
        %add3A_138 = arith.constant 2 : i32
        %add3A_139 = arith.addi %add3A_91, %add3A_138 : i32
        %mul3A_140 = arith.constant 32 : i32
        %mul3A_141 = arith.muli %add3A_139, %mul3A_140 : i32
        %add3A_142 = arith.addi %add3A, %mul3A_141 : i32
        %mul3A_143 = arith.constant 128 : i32
        %mul3A_144 = arith.muli %add3A_142, %mul3A_143 : i32
        %dma_start3A = arith.constant 0 : i32
        %dma_start3A_145 = arith.constant 0 : i32
        %dma_start3A_146 = arith.constant 0 : i32
        %dma_start3A_147 = arith.constant 0 : i32
        %dma_start3A_148 = tpu.memref_slice %arg4[%dma_start3A, %dma_start3A_146, %dma_start3A_147] : memref<2x64x128xf32, #tpu.memory_space<vmem>> -> memref<1x64x128xf32, #tpu.memory_space<vmem>>
        %dma_start3A_149 = tpu.memref_squeeze %dma_start3A_148 : memref<1x64x128xf32, #tpu.memory_space<vmem>> -> memref<64x128xf32, #tpu.memory_space<vmem>>
        %dma_start3A_150 = arith.constant 0 : i32
        %dma_start3A_151 = tpu.memref_slice %arg2[%dma_start3A_150, %mul3A_144] : memref<64x100000xf32, #tpu.memory_space<hbm>> -> memref<64x128xf32, #tpu.memory_space<hbm>>
        %dma_start3A_152 = tpu.memref_slice %arg6[%dma_start3A_145] : memref<2x!tpu.dma_semaphore, #tpu.memory_space<semaphore_mem>> -> memref<1x!tpu.dma_semaphore, #tpu.memory_space<semaphore_mem>>
        %dma_start3A_153 = tpu.memref_squeeze %dma_start3A_152 : memref<1x!tpu.dma_semaphore, #tpu.memory_space<semaphore_mem>> -> memref<!tpu.dma_semaphore, #tpu.memory_space<semaphore_mem>>
        %dma_start3A_154 = arith.constant 0 : i32
        %dma_start3A_155 = arith.constant 0 : i32
        %dma_start3A_156 = tpu.memref_slice %arg4[%dma_start3A, %dma_start3A_154, %dma_start3A_155] : memref<2x64x128xf32, #tpu.memory_space<vmem>> -> memref<1x64x128xf32, #tpu.memory_space<vmem>>
        %dma_start3A_157 = tpu.memref_squeeze %dma_start3A_156 : memref<1x64x128xf32, #tpu.memory_space<vmem>> -> memref<64x128xf32, #tpu.memory_space<vmem>>
        %dma_start3A_158 = arith.constant 0 : i32
        %dma_start3A_159 = tpu.memref_slice %arg2[%dma_start3A_158, %mul3A_144] : memref<64x100000xf32, #tpu.memory_space<hbm>> -> memref<64x128xf32, #tpu.memory_space<hbm>>
        tpu.enqueue_dma source(%dma_start3A_159 : memref<64x128xf32, #tpu.memory_space<hbm>>) target(%dma_start3A_157 : memref<64x128xf32, #tpu.memory_space<vmem>>) target_semaphore(%dma_start3A_153 : memref<!tpu.dma_semaphore, #tpu.memory_space<semaphore_mem>>)
      } else {
      }
      %convert_element_type3A_109 = arith.extui %lt3A : i1 to i32
      %cond3A_110 = arith.constant 0 : i32
      %cond3A_111 = arith.cmpi ne, %convert_element_type3A_109, %cond3A_110 : i32
      scf.if %cond3A_111 {
        %mul3A_138 = arith.constant 32 : i32
        %mul3A_139 = arith.muli %add3A_91, %mul3A_138 : i32
        %add3A_140 = arith.addi %add3A, %mul3A_139 : i32
        %mul3A_141 = arith.constant 64 : i32
        %mul3A_142 = arith.muli %add3A_140, %mul3A_141 : i32
        %dma_start3A = arith.constant 0 : i32
        %dma_start3A_143 = arith.constant 0 : i32
        %dma_start3A_144 = arith.constant 0 : i32
        %dma_start3A_145 = arith.constant 0 : i32
        %dma_start3A_146 = tpu.memref_slice %arg5[%dma_start3A, %dma_start3A_144, %dma_start3A_145] : memref<2x64x128xf32, #tpu.memory_space<vmem>> -> memref<1x64x128xf32, #tpu.memory_space<vmem>>
        %dma_start3A_147 = tpu.memref_squeeze %dma_start3A_146 : memref<1x64x128xf32, #tpu.memory_space<vmem>> -> memref<64x128xf32, #tpu.memory_space<vmem>>
        %dma_start3A_148 = arith.constant 0 : i32
        %dma_start3A_149 = tpu.memref_slice %arg3[%mul3A_142, %dma_start3A_148] : memref<50048x128xf32, #tpu.memory_space<hbm>> -> memref<64x128xf32, #tpu.memory_space<hbm>>
        %dma_start3A_150 = tpu.memref_slice %arg7[%dma_start3A_143] : memref<2x!tpu.dma_semaphore, #tpu.memory_space<semaphore_mem>> -> memref<1x!tpu.dma_semaphore, #tpu.memory_space<semaphore_mem>>
        %dma_start3A_151 = tpu.memref_squeeze %dma_start3A_150 : memref<1x!tpu.dma_semaphore, #tpu.memory_space<semaphore_mem>> -> memref<!tpu.dma_semaphore, #tpu.memory_space<semaphore_mem>>
        %dma_start3A_152 = arith.constant 0 : i32
        %dma_start3A_153 = tpu.memref_slice %arg3[%mul3A_142, %dma_start3A_152] : memref<50048x128xf32, #tpu.memory_space<hbm>> -> memref<64x128xf32, #tpu.memory_space<hbm>>
        %dma_start3A_154 = arith.constant 0 : i32
        %dma_start3A_155 = arith.constant 0 : i32
        %dma_start3A_156 = tpu.memref_slice %arg5[%dma_start3A, %dma_start3A_154, %dma_start3A_155] : memref<2x64x128xf32, #tpu.memory_space<vmem>> -> memref<1x64x128xf32, #tpu.memory_space<vmem>>
        %dma_start3A_157 = tpu.memref_squeeze %dma_start3A_156 : memref<1x64x128xf32, #tpu.memory_space<vmem>> -> memref<64x128xf32, #tpu.memory_space<vmem>>
        tpu.enqueue_dma source(%dma_start3A_157 : memref<64x128xf32, #tpu.memory_space<vmem>>) target(%dma_start3A_153 : memref<64x128xf32, #tpu.memory_space<hbm>>) target_semaphore(%dma_start3A_151 : memref<!tpu.dma_semaphore, #tpu.memory_space<semaphore_mem>>)
      } else {
      }
      %mul3A_112 = arith.constant 2 : i32
      %mul3A_113 = arith.muli %scan3A_87, %mul3A_112 : i32
      %add3A_114 = arith.constant 1 : i32
      %add3A_115 = arith.addi %mul3A_113, %add3A_114 : i32
      %lt3A_116 = arith.cmpi slt, %add3A_115, %select_n3A : i32
      %convert_element_type3A_117 = arith.extui %lt3A_116 : i1 to i32
      %cond3A_118 = arith.constant 0 : i32
      %cond3A_119 = arith.cmpi ne, %convert_element_type3A_117, %cond3A_118 : i32
      scf.if %cond3A_119 {
        %dma_wait3A_138 = arith.constant 1 : i32
        %dma_wait3A_139 = arith.constant 1 : i32
        %dma_wait3A_140 = arith.constant 0 : i32
        %dma_wait3A_141 = arith.constant 0 : i32
        %dma_wait3A_142 = tpu.memref_slice %arg4[%dma_wait3A_138, %dma_wait3A_140, %dma_wait3A_141] : memref<2x64x128xf32, #tpu.memory_space<vmem>> -> memref<1x64x128xf32, #tpu.memory_space<vmem>>
        %dma_wait3A_143 = tpu.memref_squeeze %dma_wait3A_142 : memref<1x64x128xf32, #tpu.memory_space<vmem>> -> memref<64x128xf32, #tpu.memory_space<vmem>>
        %dma_wait3A_144 = arith.constant 0 : i32
        %dma_wait3A_145 = arith.constant 0 : i32
        %dma_wait3A_146 = tpu.memref_slice %arg2[%dma_wait3A_144, %dma_wait3A_145] : memref<64x100000xf32, #tpu.memory_space<hbm>> -> memref<64x128xf32, #tpu.memory_space<hbm>>
        %dma_wait3A_147 = tpu.memref_slice %arg6[%dma_wait3A_139] : memref<2x!tpu.dma_semaphore, #tpu.memory_space<semaphore_mem>> -> memref<1x!tpu.dma_semaphore, #tpu.memory_space<semaphore_mem>>
        %dma_wait3A_148 = tpu.memref_squeeze %dma_wait3A_147 : memref<1x!tpu.dma_semaphore, #tpu.memory_space<semaphore_mem>> -> memref<!tpu.dma_semaphore, #tpu.memory_space<semaphore_mem>>
        %dma_wait3A_149 = arith.constant 0 : i32
        %dma_wait3A_150 = arith.constant 0 : i32
        %dma_wait3A_151 = tpu.memref_slice %arg4[%dma_wait3A_138, %dma_wait3A_149, %dma_wait3A_150] : memref<2x64x128xf32, #tpu.memory_space<vmem>> -> memref<1x64x128xf32, #tpu.memory_space<vmem>>
        %dma_wait3A_152 = tpu.memref_squeeze %dma_wait3A_151 : memref<1x64x128xf32, #tpu.memory_space<vmem>> -> memref<64x128xf32, #tpu.memory_space<vmem>>
        %dma_wait3A_153 = arith.constant 0 : i32
        %dma_wait3A_154 = arith.constant 0 : i32
        %dma_wait3A_155 = tpu.memref_slice %arg2[%dma_wait3A_153, %dma_wait3A_154] : memref<64x100000xf32, #tpu.memory_space<hbm>> -> memref<64x128xf32, #tpu.memory_space<hbm>>
        tpu.wait_dma2 semaphore(%dma_wait3A_148 : memref<!tpu.dma_semaphore, #tpu.memory_space<semaphore_mem>>) src(%dma_wait3A_155 : memref<64x128xf32, #tpu.memory_space<hbm>>) dst(%dma_wait3A_152 : memref<64x128xf32, #tpu.memory_space<vmem>>)
      } else {
      }
      %ge3A_120 = arith.constant 2 : i32
      %ge3A_121 = arith.cmpi sge, %add3A_115, %ge3A_120 : i32
      %and3A_122 = arith.andi %lt3A_116, %ge3A_121 : i1
      %convert_element_type3A_123 = arith.extui %and3A_122 : i1 to i32
      %cond3A_124 = arith.constant 0 : i32
      %cond3A_125 = arith.cmpi ne, %convert_element_type3A_123, %cond3A_124 : i32
      scf.if %cond3A_125 {
        %dma_wait3A_138 = arith.constant 1 : i32
        %dma_wait3A_139 = arith.constant 1 : i32
        %dma_wait3A_140 = arith.constant 0 : i32
        %dma_wait3A_141 = arith.constant 0 : i32
        %dma_wait3A_142 = tpu.memref_slice %arg5[%dma_wait3A_138, %dma_wait3A_140, %dma_wait3A_141] : memref<2x64x128xf32, #tpu.memory_space<vmem>> -> memref<1x64x128xf32, #tpu.memory_space<vmem>>
        %dma_wait3A_143 = tpu.memref_squeeze %dma_wait3A_142 : memref<1x64x128xf32, #tpu.memory_space<vmem>> -> memref<64x128xf32, #tpu.memory_space<vmem>>
        %dma_wait3A_144 = arith.constant 0 : i32
        %dma_wait3A_145 = arith.constant 0 : i32
        %dma_wait3A_146 = tpu.memref_slice %arg3[%dma_wait3A_144, %dma_wait3A_145] : memref<50048x128xf32, #tpu.memory_space<hbm>> -> memref<64x128xf32, #tpu.memory_space<hbm>>
        %dma_wait3A_147 = tpu.memref_slice %arg7[%dma_wait3A_139] : memref<2x!tpu.dma_semaphore, #tpu.memory_space<semaphore_mem>> -> memref<1x!tpu.dma_semaphore, #tpu.memory_space<semaphore_mem>>
        %dma_wait3A_148 = tpu.memref_squeeze %dma_wait3A_147 : memref<1x!tpu.dma_semaphore, #tpu.memory_space<semaphore_mem>> -> memref<!tpu.dma_semaphore, #tpu.memory_space<semaphore_mem>>
        %dma_wait3A_149 = arith.constant 0 : i32
        %dma_wait3A_150 = arith.constant 0 : i32
        %dma_wait3A_151 = tpu.memref_slice %arg3[%dma_wait3A_149, %dma_wait3A_150] : memref<50048x128xf32, #tpu.memory_space<hbm>> -> memref<64x128xf32, #tpu.memory_space<hbm>>
        %dma_wait3A_152 = arith.constant 0 : i32
        %dma_wait3A_153 = arith.constant 0 : i32
        %dma_wait3A_154 = tpu.memref_slice %arg5[%dma_wait3A_138, %dma_wait3A_152, %dma_wait3A_153] : memref<2x64x128xf32, #tpu.memory_space<vmem>> -> memref<1x64x128xf32, #tpu.memory_space<vmem>>
        %dma_wait3A_155 = tpu.memref_squeeze %dma_wait3A_154 : memref<1x64x128xf32, #tpu.memory_space<vmem>> -> memref<64x128xf32, #tpu.memory_space<vmem>>
        tpu.wait_dma2 semaphore(%dma_wait3A_148 : memref<!tpu.dma_semaphore, #tpu.memory_space<semaphore_mem>>) src(%dma_wait3A_155 : memref<64x128xf32, #tpu.memory_space<vmem>>) dst(%dma_wait3A_151 : memref<64x128xf32, #tpu.memory_space<hbm>>)
      } else {
      }
      %convert_element_type3A_126 = arith.extui %lt3A_116 : i1 to i32
      %cond3A_127 = arith.constant 0 : i32
      %cond3A_128 = arith.cmpi ne, %convert_element_type3A_126, %cond3A_127 : i32
      scf.if %cond3A_128 {
        %parallel_loop3A = arith.constant 0 : i32
        %parallel_loop3A_138 = arith.constant 128 : i32
        %parallel_loop3A_139 = arith.constant 1 : i32
        scf.for %parallel_loop3A_140 = %parallel_loop3A to %parallel_loop3A_138 step %parallel_loop3A_139  : i32 {
          %parallel_loop3A_141 = vector.broadcast %parallel_loop3A_140 : i32 to vector<16xi32>
          %parallel_loop3A_142 = arith.addi %iota3A, %parallel_loop3A_141 : vector<16xi32>
          %parallel_loop3A_143 = arith.andi %parallel_loop3A_142, %broadcast_in_dim3A_35 : vector<16xi32>
          %parallel_loop3A_144 = arith.shrui %parallel_loop3A_143, %broadcast_in_dim3A_37 : vector<16xi32>
          %parallel_loop3A_145 = arith.andi %parallel_loop3A_143, %broadcast_in_dim3A_37 : vector<16xi32>
          %parallel_loop3A_146 = arith.shli %parallel_loop3A_145, %broadcast_in_dim3A_39 : vector<16xi32>
          %parallel_loop3A_147 = arith.constant 1 : i32
          %parallel_loop3A_148 = arith.constant 0 : i32
          %parallel_loop3A_149 = arith.constant 0 : i32
          %parallel_loop3A_150 = tpu.memref_slice %arg4[%parallel_loop3A_147, %parallel_loop3A_148, %parallel_loop3A_149] : memref<2x64x128xf32, #tpu.memory_space<vmem>> -> memref<1x64x128xf32, #tpu.memory_space<vmem>>
          %parallel_loop3A_151 = tpu.memref_squeeze %parallel_loop3A_150 : memref<1x64x128xf32, #tpu.memory_space<vmem>> -> memref<64x128xf32, #tpu.memory_space<vmem>>
          %parallel_loop3A_152 = tpu.vector_load_idx %parallel_loop3A_151[%add3A_25, %parallel_loop3A_143] : memref<64x128xf32, #tpu.memory_space<vmem>>[vector<16xi32>, vector<16xi32>], vector<16xf32>,
          %parallel_loop3A_153 = arith.addi %parallel_loop3A_146, %add3A_25 : vector<16xi32>
          %parallel_loop3A_154 = arith.constant 1 : i32
          %parallel_loop3A_155 = arith.constant 0 : i32
          %parallel_loop3A_156 = arith.constant 0 : i32
          %parallel_loop3A_157 = tpu.memref_slice %arg5[%parallel_loop3A_154, %parallel_loop3A_155, %parallel_loop3A_156] : memref<2x64x128xf32, #tpu.memory_space<vmem>> -> memref<1x64x128xf32, #tpu.memory_space<vmem>>
          %parallel_loop3A_158 = tpu.memref_squeeze %parallel_loop3A_157 : memref<1x64x128xf32, #tpu.memory_space<vmem>> -> memref<64x128xf32, #tpu.memory_space<vmem>>
          tpu.vector_store_idx %parallel_loop3A_158[%parallel_loop3A_144, %parallel_loop3A_153], %parallel_loop3A_152 : memref<64x128xf32, #tpu.memory_space<vmem>>[vector<16xi32>, vector<16xi32>], vector<16xf32>,
          %parallel_loop3A_159 = arith.constant 1 : i32
          %parallel_loop3A_160 = arith.constant 0 : i32
          %parallel_loop3A_161 = arith.constant 0 : i32
          %parallel_loop3A_162 = tpu.memref_slice %arg4[%parallel_loop3A_159, %parallel_loop3A_160, %parallel_loop3A_161] : memref<2x64x128xf32, #tpu.memory_space<vmem>> -> memref<1x64x128xf32, #tpu.memory_space<vmem>>
          %parallel_loop3A_163 = tpu.memref_squeeze %parallel_loop3A_162 : memref<1x64x128xf32, #tpu.memory_space<vmem>> -> memref<64x128xf32, #tpu.memory_space<vmem>>
          %parallel_loop3A_164 = tpu.vector_load_idx %parallel_loop3A_163[%add3A_28, %parallel_loop3A_143] : memref<64x128xf32, #tpu.memory_space<vmem>>[vector<16xi32>, vector<16xi32>], vector<16xf32>,
          %parallel_loop3A_165 = arith.addi %parallel_loop3A_146, %add3A_28 : vector<16xi32>
          %parallel_loop3A_166 = arith.constant 1 : i32
          %parallel_loop3A_167 = arith.constant 0 : i32
          %parallel_loop3A_168 = arith.constant 0 : i32
          %parallel_loop3A_169 = tpu.memref_slice %arg5[%parallel_loop3A_166, %parallel_loop3A_167, %parallel_loop3A_168] : memref<2x64x128xf32, #tpu.memory_space<vmem>> -> memref<1x64x128xf32, #tpu.memory_space<vmem>>
          %parallel_loop3A_170 = tpu.memref_squeeze %parallel_loop3A_169 : memref<1x64x128xf32, #tpu.memory_space<vmem>> -> memref<64x128xf32, #tpu.memory_space<vmem>>
          tpu.vector_store_idx %parallel_loop3A_170[%parallel_loop3A_144, %parallel_loop3A_165], %parallel_loop3A_164 : memref<64x128xf32, #tpu.memory_space<vmem>>[vector<16xi32>, vector<16xi32>], vector<16xf32>,
          %parallel_loop3A_171 = arith.constant 1 : i32
          %parallel_loop3A_172 = arith.constant 0 : i32
          %parallel_loop3A_173 = arith.constant 0 : i32
          %parallel_loop3A_174 = tpu.memref_slice %arg4[%parallel_loop3A_171, %parallel_loop3A_172, %parallel_loop3A_173] : memref<2x64x128xf32, #tpu.memory_space<vmem>> -> memref<1x64x128xf32, #tpu.memory_space<vmem>>
          %parallel_loop3A_175 = tpu.memref_squeeze %parallel_loop3A_174 : memref<1x64x128xf32, #tpu.memory_space<vmem>> -> memref<64x128xf32, #tpu.memory_space<vmem>>
          %parallel_loop3A_176 = tpu.vector_load_idx %parallel_loop3A_175[%add3A_31, %parallel_loop3A_143] : memref<64x128xf32, #tpu.memory_space<vmem>>[vector<16xi32>, vector<16xi32>], vector<16xf32>,
          %parallel_loop3A_177 = arith.addi %parallel_loop3A_146, %add3A_31 : vector<16xi32>
          %parallel_loop3A_178 = arith.constant 1 : i32
          %parallel_loop3A_179 = arith.constant 0 : i32
          %parallel_loop3A_180 = arith.constant 0 : i32
          %parallel_loop3A_181 = tpu.memref_slice %arg5[%parallel_loop3A_178, %parallel_loop3A_179, %parallel_loop3A_180] : memref<2x64x128xf32, #tpu.memory_space<vmem>> -> memref<1x64x128xf32, #tpu.memory_space<vmem>>
          %parallel_loop3A_182 = tpu.memref_squeeze %parallel_loop3A_181 : memref<1x64x128xf32, #tpu.memory_space<vmem>> -> memref<64x128xf32, #tpu.memory_space<vmem>>
          tpu.vector_store_idx %parallel_loop3A_182[%parallel_loop3A_144, %parallel_loop3A_177], %parallel_loop3A_176 : memref<64x128xf32, #tpu.memory_space<vmem>>[vector<16xi32>, vector<16xi32>], vector<16xf32>,
          %parallel_loop3A_183 = arith.constant 1 : i32
          %parallel_loop3A_184 = arith.constant 0 : i32
          %parallel_loop3A_185 = arith.constant 0 : i32
          %parallel_loop3A_186 = tpu.memref_slice %arg4[%parallel_loop3A_183, %parallel_loop3A_184, %parallel_loop3A_185] : memref<2x64x128xf32, #tpu.memory_space<vmem>> -> memref<1x64x128xf32, #tpu.memory_space<vmem>>
          %parallel_loop3A_187 = tpu.memref_squeeze %parallel_loop3A_186 : memref<1x64x128xf32, #tpu.memory_space<vmem>> -> memref<64x128xf32, #tpu.memory_space<vmem>>
          %parallel_loop3A_188 = tpu.vector_load_idx %parallel_loop3A_187[%add3A_34, %parallel_loop3A_143] : memref<64x128xf32, #tpu.memory_space<vmem>>[vector<16xi32>, vector<16xi32>], vector<16xf32>,
          %parallel_loop3A_189 = arith.addi %parallel_loop3A_146, %add3A_34 : vector<16xi32>
          %parallel_loop3A_190 = arith.constant 1 : i32
          %parallel_loop3A_191 = arith.constant 0 : i32
          %parallel_loop3A_192 = arith.constant 0 : i32
          %parallel_loop3A_193 = tpu.memref_slice %arg5[%parallel_loop3A_190, %parallel_loop3A_191, %parallel_loop3A_192] : memref<2x64x128xf32, #tpu.memory_space<vmem>> -> memref<1x64x128xf32, #tpu.memory_space<vmem>>
          %parallel_loop3A_194 = tpu.memref_squeeze %parallel_loop3A_193 : memref<1x64x128xf32, #tpu.memory_space<vmem>> -> memref<64x128xf32, #tpu.memory_space<vmem>>
          tpu.vector_store_idx %parallel_loop3A_194[%parallel_loop3A_144, %parallel_loop3A_189], %parallel_loop3A_188 : memref<64x128xf32, #tpu.memory_space<vmem>>[vector<16xi32>, vector<16xi32>], vector<16xf32>,
        } {sc.loop_unroll_factor = 4 : i64, sc.parallel_access}
      } else {
      }
      %add3A_129 = arith.constant 2 : i32
      %add3A_130 = arith.addi %add3A_115, %add3A_129 : i32
      %lt3A_131 = arith.cmpi slt, %add3A_130, %select_n3A : i32
      %convert_element_type3A_132 = arith.extui %lt3A_131 : i1 to i32
      %cond3A_133 = arith.constant 0 : i32
      %cond3A_134 = arith.cmpi ne, %convert_element_type3A_132, %cond3A_133 : i32
      scf.if %cond3A_134 {
        %add3A_138 = arith.constant 2 : i32
        %add3A_139 = arith.addi %add3A_115, %add3A_138 : i32
        %mul3A_140 = arith.constant 32 : i32
        %mul3A_141 = arith.muli %add3A_139, %mul3A_140 : i32
        %add3A_142 = arith.addi %add3A, %mul3A_141 : i32
        %mul3A_143 = arith.constant 128 : i32
        %mul3A_144 = arith.muli %add3A_142, %mul3A_143 : i32
        %dma_start3A = arith.constant 1 : i32
        %dma_start3A_145 = arith.constant 1 : i32
        %dma_start3A_146 = arith.constant 0 : i32
        %dma_start3A_147 = arith.constant 0 : i32
        %dma_start3A_148 = tpu.memref_slice %arg4[%dma_start3A, %dma_start3A_146, %dma_start3A_147] : memref<2x64x128xf32, #tpu.memory_space<vmem>> -> memref<1x64x128xf32, #tpu.memory_space<vmem>>
        %dma_start3A_149 = tpu.memref_squeeze %dma_start3A_148 : memref<1x64x128xf32, #tpu.memory_space<vmem>> -> memref<64x128xf32, #tpu.memory_space<vmem>>
        %dma_start3A_150 = arith.constant 0 : i32
        %dma_start3A_151 = tpu.memref_slice %arg2[%dma_start3A_150, %mul3A_144] : memref<64x100000xf32, #tpu.memory_space<hbm>> -> memref<64x128xf32, #tpu.memory_space<hbm>>
        %dma_start3A_152 = tpu.memref_slice %arg6[%dma_start3A_145] : memref<2x!tpu.dma_semaphore, #tpu.memory_space<semaphore_mem>> -> memref<1x!tpu.dma_semaphore, #tpu.memory_space<semaphore_mem>>
        %dma_start3A_153 = tpu.memref_squeeze %dma_start3A_152 : memref<1x!tpu.dma_semaphore, #tpu.memory_space<semaphore_mem>> -> memref<!tpu.dma_semaphore, #tpu.memory_space<semaphore_mem>>
        %dma_start3A_154 = arith.constant 0 : i32
        %dma_start3A_155 = arith.constant 0 : i32
        %dma_start3A_156 = tpu.memref_slice %arg4[%dma_start3A, %dma_start3A_154, %dma_start3A_155] : memref<2x64x128xf32, #tpu.memory_space<vmem>> -> memref<1x64x128xf32, #tpu.memory_space<vmem>>
        %dma_start3A_157 = tpu.memref_squeeze %dma_start3A_156 : memref<1x64x128xf32, #tpu.memory_space<vmem>> -> memref<64x128xf32, #tpu.memory_space<vmem>>
        %dma_start3A_158 = arith.constant 0 : i32
        %dma_start3A_159 = tpu.memref_slice %arg2[%dma_start3A_158, %mul3A_144] : memref<64x100000xf32, #tpu.memory_space<hbm>> -> memref<64x128xf32, #tpu.memory_space<hbm>>
        tpu.enqueue_dma source(%dma_start3A_159 : memref<64x128xf32, #tpu.memory_space<hbm>>) target(%dma_start3A_157 : memref<64x128xf32, #tpu.memory_space<vmem>>) target_semaphore(%dma_start3A_153 : memref<!tpu.dma_semaphore, #tpu.memory_space<semaphore_mem>>)
      } else {
      }
      %convert_element_type3A_135 = arith.extui %lt3A_116 : i1 to i32
      %cond3A_136 = arith.constant 0 : i32
      %cond3A_137 = arith.cmpi ne, %convert_element_type3A_135, %cond3A_136 : i32
      scf.if %cond3A_137 {
        %mul3A_138 = arith.constant 32 : i32
        %mul3A_139 = arith.muli %add3A_115, %mul3A_138 : i32
        %add3A_140 = arith.addi %add3A, %mul3A_139 : i32
        %mul3A_141 = arith.constant 64 : i32
        %mul3A_142 = arith.muli %add3A_140, %mul3A_141 : i32
        %dma_start3A = arith.constant 1 : i32
        %dma_start3A_143 = arith.constant 1 : i32
        %dma_start3A_144 = arith.constant 0 : i32
        %dma_start3A_145 = arith.constant 0 : i32
        %dma_start3A_146 = tpu.memref_slice %arg5[%dma_start3A, %dma_start3A_144, %dma_start3A_145] : memref<2x64x128xf32, #tpu.memory_space<vmem>> -> memref<1x64x128xf32, #tpu.memory_space<vmem>>
        %dma_start3A_147 = tpu.memref_squeeze %dma_start3A_146 : memref<1x64x128xf32, #tpu.memory_space<vmem>> -> memref<64x128xf32, #tpu.memory_space<vmem>>
        %dma_start3A_148 = arith.constant 0 : i32
        %dma_start3A_149 = tpu.memref_slice %arg3[%mul3A_142, %dma_start3A_148] : memref<50048x128xf32, #tpu.memory_space<hbm>> -> memref<64x128xf32, #tpu.memory_space<hbm>>
        %dma_start3A_150 = tpu.memref_slice %arg7[%dma_start3A_143] : memref<2x!tpu.dma_semaphore, #tpu.memory_space<semaphore_mem>> -> memref<1x!tpu.dma_semaphore, #tpu.memory_space<semaphore_mem>>
        %dma_start3A_151 = tpu.memref_squeeze %dma_start3A_150 : memref<1x!tpu.dma_semaphore, #tpu.memory_space<semaphore_mem>> -> memref<!tpu.dma_semaphore, #tpu.memory_space<semaphore_mem>>
        %dma_start3A_152 = arith.constant 0 : i32
        %dma_start3A_153 = tpu.memref_slice %arg3[%mul3A_142, %dma_start3A_152] : memref<50048x128xf32, #tpu.memory_space<hbm>> -> memref<64x128xf32, #tpu.memory_space<hbm>>
        %dma_start3A_154 = arith.constant 0 : i32
        %dma_start3A_155 = arith.constant 0 : i32
        %dma_start3A_156 = tpu.memref_slice %arg5[%dma_start3A, %dma_start3A_154, %dma_start3A_155] : memref<2x64x128xf32, #tpu.memory_space<vmem>> -> memref<1x64x128xf32, #tpu.memory_space<vmem>>
        %dma_start3A_157 = tpu.memref_squeeze %dma_start3A_156 : memref<1x64x128xf32, #tpu.memory_space<vmem>> -> memref<64x128xf32, #tpu.memory_space<vmem>>
        tpu.enqueue_dma source(%dma_start3A_157 : memref<64x128xf32, #tpu.memory_space<vmem>>) target(%dma_start3A_153 : memref<64x128xf32, #tpu.memory_space<hbm>>) target_semaphore(%dma_start3A_151 : memref<!tpu.dma_semaphore, #tpu.memory_space<semaphore_mem>>)
      } else {
      }
    }
    %scan3A_51 = arith.constant 13 : i32
    %dma_wait3A = arith.constant 0 : i32
    %dma_wait3A_52 = arith.constant 0 : i32
    %dma_wait3A_53 = arith.constant 0 : i32
    %dma_wait3A_54 = arith.constant 0 : i32
    %dma_wait3A_55 = tpu.memref_slice %arg5[%dma_wait3A, %dma_wait3A_53, %dma_wait3A_54] : memref<2x64x128xf32, #tpu.memory_space<vmem>> -> memref<1x64x128xf32, #tpu.memory_space<vmem>>
    %dma_wait3A_56 = tpu.memref_squeeze %dma_wait3A_55 : memref<1x64x128xf32, #tpu.memory_space<vmem>> -> memref<64x128xf32, #tpu.memory_space<vmem>>
    %dma_wait3A_57 = arith.constant 0 : i32
    %dma_wait3A_58 = arith.constant 0 : i32
    %dma_wait3A_59 = tpu.memref_slice %arg3[%dma_wait3A_57, %dma_wait3A_58] : memref<50048x128xf32, #tpu.memory_space<hbm>> -> memref<64x128xf32, #tpu.memory_space<hbm>>
    %dma_wait3A_60 = tpu.memref_slice %arg7[%dma_wait3A_52] : memref<2x!tpu.dma_semaphore, #tpu.memory_space<semaphore_mem>> -> memref<1x!tpu.dma_semaphore, #tpu.memory_space<semaphore_mem>>
    %dma_wait3A_61 = tpu.memref_squeeze %dma_wait3A_60 : memref<1x!tpu.dma_semaphore, #tpu.memory_space<semaphore_mem>> -> memref<!tpu.dma_semaphore, #tpu.memory_space<semaphore_mem>>
    %dma_wait3A_62 = arith.constant 0 : i32
    %dma_wait3A_63 = arith.constant 0 : i32
    %dma_wait3A_64 = tpu.memref_slice %arg3[%dma_wait3A_62, %dma_wait3A_63] : memref<50048x128xf32, #tpu.memory_space<hbm>> -> memref<64x128xf32, #tpu.memory_space<hbm>>
    %dma_wait3A_65 = arith.constant 0 : i32
    %dma_wait3A_66 = arith.constant 0 : i32
    %dma_wait3A_67 = tpu.memref_slice %arg5[%dma_wait3A, %dma_wait3A_65, %dma_wait3A_66] : memref<2x64x128xf32, #tpu.memory_space<vmem>> -> memref<1x64x128xf32, #tpu.memory_space<vmem>>
    %dma_wait3A_68 = tpu.memref_squeeze %dma_wait3A_67 : memref<1x64x128xf32, #tpu.memory_space<vmem>> -> memref<64x128xf32, #tpu.memory_space<vmem>>
    tpu.wait_dma2 semaphore(%dma_wait3A_61 : memref<!tpu.dma_semaphore, #tpu.memory_space<semaphore_mem>>) src(%dma_wait3A_68 : memref<64x128xf32, #tpu.memory_space<vmem>>) dst(%dma_wait3A_64 : memref<64x128xf32, #tpu.memory_space<hbm>>)
    %dma_wait3A_69 = arith.constant 1 : i32
    %dma_wait3A_70 = arith.constant 1 : i32
    %dma_wait3A_71 = arith.constant 0 : i32
    %dma_wait3A_72 = arith.constant 0 : i32
    %dma_wait3A_73 = tpu.memref_slice %arg5[%dma_wait3A_69, %dma_wait3A_71, %dma_wait3A_72] : memref<2x64x128xf32, #tpu.memory_space<vmem>> -> memref<1x64x128xf32, #tpu.memory_space<vmem>>
    %dma_wait3A_74 = tpu.memref_squeeze %dma_wait3A_73 : memref<1x64x128xf32, #tpu.memory_space<vmem>> -> memref<64x128xf32, #tpu.memory_space<vmem>>
    %dma_wait3A_75 = arith.constant 0 : i32
    %dma_wait3A_76 = arith.constant 0 : i32
    %dma_wait3A_77 = tpu.memref_slice %arg3[%dma_wait3A_75, %dma_wait3A_76] : memref<50048x128xf32, #tpu.memory_space<hbm>> -> memref<64x128xf32, #tpu.memory_space<hbm>>
    %dma_wait3A_78 = tpu.memref_slice %arg7[%dma_wait3A_70] : memref<2x!tpu.dma_semaphore, #tpu.memory_space<semaphore_mem>> -> memref<1x!tpu.dma_semaphore, #tpu.memory_space<semaphore_mem>>
    %dma_wait3A_79 = tpu.memref_squeeze %dma_wait3A_78 : memref<1x!tpu.dma_semaphore, #tpu.memory_space<semaphore_mem>> -> memref<!tpu.dma_semaphore, #tpu.memory_space<semaphore_mem>>
    %dma_wait3A_80 = arith.constant 0 : i32
    %dma_wait3A_81 = arith.constant 0 : i32
    %dma_wait3A_82 = tpu.memref_slice %arg3[%dma_wait3A_80, %dma_wait3A_81] : memref<50048x128xf32, #tpu.memory_space<hbm>> -> memref<64x128xf32, #tpu.memory_space<hbm>>
    %dma_wait3A_83 = arith.constant 0 : i32
    %dma_wait3A_84 = arith.constant 0 : i32
    %dma_wait3A_85 = tpu.memref_slice %arg5[%dma_wait3A_69, %dma_wait3A_83, %dma_wait3A_84] : memref<2x64x128xf32, #tpu.memory_space<vmem>> -> memref<1x64x128xf32, #tpu.memory_space<vmem>>
    %dma_wait3A_86 = tpu.memref_squeeze %dma_wait3A_85 : memref<1x64x128xf32, #tpu.memory_space<vmem>> -> memref<64x128xf32, #tpu.memory_space<vmem>>
    tpu.wait_dma2 semaphore(%dma_wait3A_79 : memref<!tpu.dma_semaphore, #tpu.memory_space<semaphore_mem>>) src(%dma_wait3A_86 : memref<64x128xf32, #tpu.memory_space<vmem>>) dst(%dma_wait3A_82 : memref<64x128xf32, #tpu.memory_space<hbm>>)
    return
  }
}

</mosaic_0001>

<sc_bundles>
// kernel: _sc_detile.3.cloned.1.call-start
scs
__scs_entry_jumppad:
0x0: {  	(pc) =	sbr.rel $0x88, $3  }
0x1: {  	(tag) =	ssettag $0x0;
	lr =	simm.s32 $0x1  }
0x2: {  	[smem:$0x3FA0] =	sst lr;
	_ =	strace $0xD0000000  }
0x3: {  	_ = 	snop  }
0x4: {  	_ = 	snop  }
0x5: {  	_ = 	snop  }
0x6: {  	_ = 	snop  }
0x7: {  	_ = 	snop  }
__scs_overlays_trampoline_lowered:
0x8: {  	[smem:$0x3FAF] =	sst s0  }
0x9: {  	[smem:$0x3FB0] =	sst s1  }
0xa: {  	[smem:$0x3FB1] =	sst s2  }
0xb: {  	[smem:$0x3FB2] =	sst s3  }
0xc: {  	[smem:$0x3FB3] =	sst s4  }
0xd: {  	[smem:$0x3FB4] =	sst s5  }
0xe: {  	[smem:$0x3FB5] =	sst s6  }
0xf: {  	[smem:$0x3FB6] =	sst s7  }
0x10: {  	[smem:$0x3FB7] =	sst s8  }
0x11: {  	[smem:$0x3FB8] =	sst s9;
	s0 =	simm.s32 @!p0 $0x0  }
0x12: {  	s1 =	sld [smem:$0x3F9E];
	s0 =	simm.s32 @p0 $0x1  }
0x13: {  	[smem:$0x3FB9] =	sst s0;
	s0 =	simm.s32 @!p1 $0x0  }
0x14: {  	s2 =	sld [smem:$0x3F9D];
	s0 =	simm.s32 @p1 $0x1  }
0x15: {  	[smem:$0x3FBA] =	sst s0;
	s0 =	simm.s32 @!p2 $0x0  }
0x16: {  	s3 =	sld [smem:$0x3FDB];
	s0 =	simm.s32 @p2 $0x1  }
0x17: {  	s4 =	simm.s32 $0x1BF5;
	[smem:$0x3FBC] =	sst s0  }
0x18: {  	s0 =	sld [smem:$0x3F9F];
	_ =	swait.ge [sflag:s4], $0x0  }
0x19: {  	s7 =	sld [smem:$0x3FA0]  }
0x1a: {  	s8 =	sadd.s32 $0xFFFFE003, lr  }
0x1b: {  	s9 =	sadd.s32 $0xFFFFFEF7, lr;
	s5 =	simm.s32 $0xFFFFFFFF;
	p2 =	slt.u32 s8, $0xFFFFF086  }
0x1c: {  	p1 =	slt.u32 s9, $0xF7A;
	s5 =	simm.s32 @!p2 $0x0  }
0x1d: {  	s5 =	simm.s32 @p1 $0x1;
	p0 =	seq.s32 s7, s2  }
0x1e: {  	s7 =	smul.u32 @!p0 $0xF7A, s2;
	p2 =	seq.s32 @!p0 s5, $0x0  }
0x1f: {  	s9 =	smul.u32 $0xF7A, s1;
	s8 =	simm.s32 @!p0 $0x1BF5;
	p2 =	por !p2, p0  }
0x20: {  	[sflag:s8] =	ssyncset.s32 @!p0 $0xFFFFF086;
	s6 =	sadd.s32 @!p0 s3, s7;
	s7 =	simm.s32 @!p0 $0x108  }
0x21: {  	s3 =	sadd.s32 s3, s9;
	s6 =	sadd.s32 @!p0 $0x88, s6;
	s7 =	simm.s32 @p2 $0x1082  }
0x22: {  	[simem:s7], [sflag:s8] =	dma.local @!p0 [hbm:s6], $0xF7A  }
0x23: {  	s9 =	sor.u32 $0xD0000000, s2;
	s6 =	simm.s32 $0x108;
	_ =	swait.ge @!p0 [sflag:s8], $0x0  }
0x24: {  	s3 =	sadd.s32 $0x88, s3;
	s6 =	simm.s32 @!p1 $0x1082;
	[sflag:s4] =	ssyncset.s32 $0xFFFFF086  }
0x25: {  	[simem:s6], [sflag:s4] =	dma.local [hbm:s3], $0xF7A  }
0x26: {  	[smem:$0x3FA0] =	sst s1;
	(tag) =	ssettag s2;
	_ =	strace s9  }
0x27: {  	s1 =	sld [smem:$0x3FB0]  }
0x28: {  	s2 =	sld [smem:$0x3FB1]  }
0x29: {  	s4 =	sld [smem:$0x3FB3]  }
0x2a: {  	p0 =	seq.s32 s5, $0x0;
	s5 =	sld [smem:$0x3FB4]  }
0x2b: {  	s6 =	sld [smem:$0x3FB5]  }
0x2c: {  	s7 =	sld [smem:$0x3FB6]  }
0x2d: {  	s3 =	simm.s32 $0x108;
	s8 =	sld [smem:$0x3FB7]  }
0x2e: {  	s3 =	simm.s32 @!p0 $0x1082;
	s9 =	sld [smem:$0x3FB8]  }
0x2f: {  	lr =	sadd.s32 s0, s3;
	s0 =	sld [smem:$0x3FAF]  }
0x30: {  	s3 =	sld [smem:$0x3FB2]  }
0x31: {  	[smem:$0x3FBB] =	sst s10  }
0x32: {  	s10 =	sld [smem:$0x3FB9];
	_ =	sdelay $0x3  }
0x33: {  	p0 =	seq.s32 s10, $0x1;
	s10 =	sld [smem:$0x3FBB];
	_ =	sdelay $0x3  }
0x34: {  	[smem:$0x3FBB] =	sst s10  }
0x35: {  	s10 =	sld [smem:$0x3FBA];
	_ =	sdelay $0x3  }
0x36: {  	p1 =	seq.s32 s10, $0x1;
	s10 =	sld [smem:$0x3FBB];
	_ =	sdelay $0x3  }
0x37: {  	[smem:$0x3FBB] =	sst s10  }
0x38: {  	s10 =	sld [smem:$0x3FBC]  }
0x39: {  	_ = 	snop;
	(pc) =	sbr.ind lr, $3  }
0x3a: {  	_ = 	snop  }
0x3b: {  	_ = 	snop  }
0x3c: {  	p2 =	seq.s32 s10, $0x1;
	s10 =	sld [smem:$0x3FBB]  }
0x3d: {  	_ =	shalt  }
0x3e: {  	_ =	shalt  }
0x3f: {  	_ =	shalt  }
0x40: {  	_ =	shalt  }
0x41: {  	_ =	shalt  }
0x42: {  	_ =	shalt  }
0x43: {  	_ =	shalt  }
0x44: {  	_ =	shalt  }
0x45: {  	_ =	shalt  }
0x46: {  	_ =	shalt  }
0x47: {  	_ =	shalt  }
0x48: {  	_ =	shalt  }
0x49: {  	_ =	shalt  }
0x4a: {  	_ =	shalt  }
0x4b: {  	_ =	shalt  }
0x4c: {  	_ =	shalt  }
0x4d: {  	_ =	shalt  }
0x4e: {  	_ =	shalt  }
0x4f: {  	_ =	shalt  }
0x50: {  	_ =	shalt  }
0x51: {  	_ =	shalt  }
0x52: {  	_ =	shalt  }
0x53: {  	_ =	shalt  }
0x54: {  	_ =	shalt  }
0x55: {  	_ =	shalt  }
0x56: {  	_ =	shalt  }
0x57: {  	_ =	shalt  }
0x58: {  	_ =	shalt  }
0x59: {  	_ =	shalt  }
0x5a: {  	_ =	shalt  }
0x5b: {  	_ =	shalt  }
0x5c: {  	_ =	shalt  }
0x5d: {  	_ =	shalt  }
0x5e: {  	_ =	shalt  }
0x5f: {  	_ =	shalt  }
0x60: {  	_ =	shalt  }
0x61: {  	_ =	shalt  }
0x62: {  	_ =	shalt  }
0x63: {  	_ =	shalt  }
0x64: {  	_ =	shalt  }
0x65: {  	_ =	shalt  }
0x66: {  	_ =	shalt  }
0x67: {  	_ =	shalt  }
0x68: {  	_ =	shalt  }
0x69: {  	_ =	shalt  }
0x6a: {  	_ =	shalt  }
0x6b: {  	_ =	shalt  }
0x6c: {  	_ =	shalt  }
0x6d: {  	_ =	shalt  }
0x6e: {  	_ =	shalt  }
0x6f: {  	_ =	shalt  }
0x70: {  	_ =	shalt  }
0x71: {  	_ =	shalt  }
0x72: {  	_ =	shalt  }
0x73: {  	_ =	shalt  }
0x74: {  	_ =	shalt  }
0x75: {  	_ =	shalt  }
0x76: {  	_ =	shalt  }
0x77: {  	_ =	shalt  }
0x78: {  	_ =	shalt  }
0x79: {  	_ =	shalt  }
0x7a: {  	_ =	shalt  }
0x7b: {  	_ =	shalt  }
0x7c: {  	_ =	shalt  }
0x7d: {  	_ =	shalt  }
0x7e: {  	_ =	shalt  }
0x7f: {  	_ =	shalt  }
0x80: {  	_ =	shalt  }
0x81: {  	_ =	shalt  }
0x82: {  	_ =	shalt  }
0x83: {  	_ =	shalt  }
0x84: {  	_ =	shalt  }
0x85: {  	_ =	shalt  }
0x86: {  	_ =	shalt  }
0x87: {  	_ =	shalt  }
.Lfunc_end0:
.L_simem_size_0:
called_computation_lowered:
.L_overlay_start_0:
0x88: {  	s2 =	sld [smem:$0x3FD9]  }
0x89: {  	s3 =	sld [smem:$0x3FFE];
	_ =	sdelay $0x1  }
0x8a: {  	s1 =	srdreg.scid  }
0x8b: {  	s0 =	sand.u32 $0x1, s1  }
0x8c: {  	s18 =	sshll.u32 s0, $0xA;
	s2 =	sadd.s32 s3, s2  }
0x8d: {  	s2 =	sadd.s32 s2, s18  }
0x8e: {  	[smem:$0x3FC7] =	sst s2  }
0x8f: {  	_ = 	snop  }
0x90: {  	s2 =	sld [smem:$0x3FC9]  }
0x91: {  	s19 =	sld [smem:$0x3FD0];
	(tm) =	ssettm $0x1  }
0x92: {  	s4 =	sld [smem:$0x3FFB];
	_ =	sdelay $0x3  }
0x93: {  	_ =	strace s4  }
0x94: {  	s4 =	sld [smem:$0x3FFC];
	_ =	sdelay $0x3  }
0x95: {  	_ =	strace s4  }
0x96: {  	s4 =	sld [smem:$0x3FFD];
	_ =	sdelay $0x3  }
0x97: {  	_ =	strace s4  }
0x98: {  	_ =	strace $0x8FFFFFFF  }
0x99: {  	s20 =	sld [smem:$0x3FDB];
	_ =	sdelay $0x1  }
0x9a: {  	s5 =	simm.s32 $_scs_section_size  }
0x9b: {  	s6 =	simm.s32 $_size__tile_overlayer_lowered;
	s7 =	simm.s32 $_tile_overlayer_lowered  }
0x9c: {  	s23 =	simm.s32 $0x1BFF;
	s22 =	sshll.u32 s7, $0x1;
	s4 =	sadd.s32 s5, s20  }
0x9d: {  	s8 =	simm.s32 $0x0;
	s21 =	sshll.u32 s6, $0x1;
	s6 =	sadd.s32 s22, s4  }
0x9e: {  	[timem:s8], [sflag:s23] =	dma.local [hbm:s6], s21  }
0x9f: {  	_ =	swait.ge [sflag:s23], s21  }
0xa0: {  	s5 =	ssub.s32 $0x0, s21;
	[sflag:s23] =	ssyncset.done $0x0  }
0xa1: {  	[sflag:s23] =	ssyncadd.s32 s5;
	_ =	sdelay $0x1  }
0xa2: {  	s24 =	simm.s32 $0x1B8B  }
0xa3: {  	_ =	swait.ge [sflag:s24], $0x1  }
0xa4: {  	[sflag:s24] =	ssyncset.done $0x0  }
0xa5: {  	s25 =	simm.s32 $0x1B8E;
	[sflag:s24] =	ssyncadd.s32 $0xFFFFFFFF  }
0xa6: {  	s26 =	simm.s32 $execute0_lowered;
	[smem:$0x3FD2] =	sst s25  }
0xa7: {  	s5 =	sshll.u32 s26, $0x1;
	_ =	strace $0x80000046;
	[dreg:$0x1] =	wrdreg $0xFFFFFFFF  }
0xa8: {  	s28 =	simm.s32 $_size_execute0_lowered;
	s4 =	sadd.s32 s4, s5;
	[dreg:$0x0] =	wrdreg $0x0  }
0xa9: {  	s5 =	sshll.u32 s28, $0x1;
	[dreg:$0x2] =	wrdreg s4  }
0xaa: {  	[dreg:$0x3] =	wrdreg s5  }
0xab: {  	[dreg:$0x4] =	wrdreg $0xC0  }
0xac: {  	_ =	task [dreg:s8], $0x5FFFF  }
0xad: {  	[dreg:$0x1] =	wrdreg $0xFFFFFFFF  }
0xae: {  	[dreg:$0x0] =	wrdreg $0x60  }
0xaf: {  	[dreg:$0x2] =	wrdreg s2  }
0xb0: {  	[dreg:$0x3] =	wrdreg s19  }
0xb1: {  	[dreg:$0x4] =	wrdreg $0x9  }
0xb2: {  	_ =	task.clear_ibuf [dreg:s8], $0x5FFFF;
	_ =	strace $0x90000046  }
0xb3: {  	s29 =	simm.s32 $0x9;
	_ =	strace $0x80000048  }
0xb4: {  	_ =	swait.ge [sflag:s29], $0x1  }
0xb5: {  	[sflag:s29] =	ssyncadd.s32 $0xFFFFFFFF  }
0xb6: {  	_ =	strace $0x90000048  }
0xb7: {  	_ =	sfence  }
0xb8: {  	s30 =	sld [smem:$0x0];
	_ =	sdelay $0x2  }
0xb9: {  	s31 =	sshll.u32 s1, $0xD;
	s1 =	sshrl.u32 s1, $0x2  }
0xba: {  	s3 =	sand.u32 $0x4000, s31;
	s1 =	sadd.s32 s1, s30  }
0xbb: {  	s0 =	sor.u32 s3, s0;
	s1 =	sshll.u32 s1, $0x11  }
0xbc: {  	s0 =	sor.u32 s1, s0  }
0xbd: {  	s0 =	sadd.s32 $0x8F2B, s0  }
0xbe: {  	[sflag:s0] =	ssyncadd.remote.s32 $0x1  }
0xbf: {  	_ =	sfence.sel $0xFFFF  }
0xc0: {  	[dreg:$0x0] =	wrdreg $0xFFFFFFFF;
	(pc) =	sbr.abs _section_cstart, $3  }
0xc1: {  	[dreg:$0x1] =	wrdreg $0xFFFFFFFF  }
0xc2: {  	_ =	task.clear_ibuf [dreg:s8], $0x2FFFF;
	_ =	strace $0x9FFFFFFF  }
0xc3: {  	(tm) =	ssettm $0x7FFFFFFF  }
tec
execute0_lowered:
.L_overlay_start_1:
0x0: {  	(tag) =	ssettag $0x1  }
0x1: {  	v0 =	vimm.s32 $0x4B0A4908;
	v1 =	vimm.s32 $0x4F0E4D0C  }
0x2: {  	vm0 =	vcmask $0x1F10;
	v3 =	vimm.s32 $0x47064504;
	v4 =	vimm.s32 $0x5B1A5918  }
0x3: {  	v5 =	vimm.s32 $0x5F1E5D1C;
	v6 =	vimm.s32 $0x53125110;
	v7 =	vimm.s32 $0x57165514  }
0x4: {  	v8 =	vimm.s32 $0x7B3A7938;
	v2 =	vunpack.c.0.s8.s32 v0;
	v1 =	vunpack.c.0.s8.s32 v1  }
0x5: {  	v9 =	vimm.s32 $0x7F3E7D3C;
	v10 =	vimm.s32 $0x73327130;
	v11 =	vimm.s32 $0x77367534  }
0x6: {  	s3 =	rddreg [dreg:$0x0];
	v0 =	vlaneseq.u32;
	v2 =	vsel vm0, v1, v2;
	v1 =	vimm.s32 $0x43024100  }
0x7: {  	s6 =	rddreg [dreg:$0x1];
	v3 =	vunpack.c.0.s8.s32 v3;
	v4 =	vunpack.c.0.s8.s32 v4;
	v1 =	vunpack.c.0.s8.s32 v1  }
0x8: {  	s0 =	rddreg [dreg:$0x2];
	v5 =	vunpack.c.0.s8.s32 v5;
	v6 =	vunpack.c.0.s8.s32 v6;
	v7 =	vunpack.c.0.s8.s32 v7  }
0x9: {  	s1 =	simm.s32 $0x0;
	s4 =	srdreg.scid;
	s2 =	stileid.u32;
	v8 =	vunpack.c.0.s8.s32 v8;
	v9 =	vunpack.c.0.s8.s32 v9;
	v3 =	vsel vm0, v3, v1  }
0xa: {  	s10 =	simm.s32 $0x2000;
	s11 =	simm.s32 $0x1;
	s12 =	simm.s32 $0x4000;
	v10 =	vunpack.c.0.s8.s32 v10;
	v11 =	vunpack.c.0.s8.s32 v11;
	v2 =	vcombine.low v3, v2  }
0xb: {  	s13 =	simm.s32 $0x2;
	s14 =	simm.s32 $0x6000;
	s15 =	simm.s32 $0x3;
	v3 =	vsel vm0, v5, v4;
	v4 =	vsel vm0, v7, v6;
	v5 =	vimm.s32 $0x6B2A6928  }
0xc: {  	s16 =	simm.s32 $0x4;
	s17 =	simm.s32 $0x0;
	[smem:$0x7FF] =	sst s1;
	v6 =	vimm.s32 $0x6F2E6D2C;
	v7 =	vimm.s32 $0x67266524;
	v3 =	vcombine.low v4, v3  }
0xd: {  	s4 =	sand.u32 $0x1, s4;
	s5 =	sshll.u32 s2, $0x1;
	_ =	strace $0x80000047;
	v4 =	vunpack.c.0.s8.s32 v5;
	v5 =	vunpack.c.0.s8.s32 v6;
	v6 =	vimm.s32 $0x63226120  }
.Ltmp0:
0xe: {  	s7 =	ssub.s32 $0x2, s4;
	s5 =	sor.u32 s4, s5;
	v8 =	vsel vm0, v9, v8;
	v7 =	vunpack.c.0.s8.s32 v7;
	v6 =	vunpack.c.0.s8.s32 v6;
	(pc) =	sbr.rel .LBB2_1-.Ltmp0, $4  }
0xf: {  	s30 =	sshrl.u32 s7, $0x1;
	s8 =	ssub.s32 $0x32D, s5;
	s9 =	sshll.u32 s5, $0x7;
	v9 =	vsel vm0, v11, v10;
	v10 =	vor.u32 $0x20, v0;
	v11 =	vor.u32 $0x30, v0  }
0x10: {  	s31 =	sshll.u32 s5, $0xA;
	s7 =	ssub.s32 s7, s30;
	s3 =	sadd.s32 s3, s9;
	v1 =	vmul.u32 $0x80, v0;
	v12 =	vsel vm0, v5, v4;
	v6 =	vsel vm0, v7, v6  }
0x11: {  	s4 =	sshrl.u32 s8, $0x5;
	s6 =	sadd.s32 s6, s31;
	s8 =	simm.s32 $0x400;
	v8 =	vcombine.low v9, v8;
	v9 =	vor.u32 $0x10, v0;
	v6 =	vcombine.low v6, v12  }
0x12: {  	s9 =	simm.s32 $0xC3800;
	s5 =	sadd.s32 $0x1000, s3;
	s7 =	smax.u32 s7, $0x1;
	v4 =	vor.u32 $0x800, v1;
	v5 =	vor.u32 $0x1000, v1;
	v7 =	vor.u32 $0x1800, v1  }
.LBB2_11:
0x13: {  	s17 =	sadd.s32 $0x1, s17  }
0x14: {  	_ =	swait.ge [sflag:s15], $0x2000;
	p0 =	sne.s32 s17, s7  }
.Ltmp1:
0x15: {  	[sflag:s15] =	ssyncset.done $0x0;
	(pc) =	sbr.rel @!p0 .LBB2_12-.Ltmp1, $4  }
0x16: {  	[sflag:s15] =	ssyncadd.s32 $0xFFFFE000  }
0x17: {  	_ =	swait.ge [sflag:s16], $0x2000  }
0x18: {  	[sflag:s16] =	ssyncset.done $0x0  }
0x19: {  	[sflag:s16] =	ssyncadd.s32 $0xFFFFE000  }
.LBB2_1:
.Ltmp2:
0x1a: {  	(pc) =	sbr.rel .LBB2_2-.Ltmp2, $4  }
0x1b: {  	_ = 	snop  }
0x1c: {  	[tilespmem:s1], [sflag:$0x1] =	stream.strided.gather [hbm4b:s3+s8], $0x2000, s9, s8, $0x38;
	[tilespmem:$0x8000] =	vst v63  }
0x1d: {  	s18 =	simm.s32 $0x0  }
0x1e: {  	[tilespmem:s10], [sflag:$0x2] =	stream.strided.gather [hbm4b:s5+s8], $0x2000, s9, s8, $0x38;
	[tilespmem:$0x8000] =	vst v63  }
.LBB2_10:
0x1f: {  	s19 =	sadd.s32 $0x3, s19  }
0x20: {  	p0 =	sge.u32 s19, s4  }
0x21: {  	s18 =	sadd.s32 $0x1, s18;
	s19 =	sshll.u32 @!p0 s19, $0xC;
	s21 =	simm.s32 @!p0 $0x400  }
0x22: {  	s22 =	simm.s32 @!p0 $0xC3800;
	s23 =	simm.s32 @!p0 $0x2000;
	s19 =	sadd.s32 @!p0 s19, s3  }
0x23: {  	[tilespmem:s23], [sflag:$0x2] =	stream.strided.gather @!p0 [hbm4b:s19+s21], $0x2000, s22, s21, $0x38;
	[tilespmem:$0x8000] =	vst v63  }
0x24: {  	p0 =	sne.s32 s18, $0xD  }
.Ltmp3:
0x25: {  	_ = 	snop;
	(pc) =	sbr.rel @!p0 .LBB2_11-.Ltmp3, $4  }
0x26: {  	_ = 	snop  }
0x27: {  	s19 =	sshll.u32 @!p1 s20, $0xF  }
0x28: {  	s20 =	simm.s32 @!p1 $0x0;
	s21 =	simm.s32 @!p1 $0x6000;
	s19 =	sadd.s32 @!p1 s19, s6  }
0x29: {  	[hbm4b:s19+s20] =	stream.linear.scatter @!p1 [tilespmem:s21], [sflag:$0x4], $0x2000, $0x38;
	[tilespmem:$0x8000] =	vst v63  }
.LBB2_2:
0x2a: {  	s19 =	sshll.u32 s18, $0x1  }
0x2b: {  	p1 =	slt.u32 s19, s4  }
.Ltmp4:
0x2c: {  	_ = 	snop;
	(pc) =	sbr.rel @!p1 .LBB2_6-.Ltmp4, $2  }
0x2d: {  	_ =	sdelay $0x2  }
0x2e: {  	p0 =	sne.s32 s18, $0x0  }
0x2f: {  	s20 =	simm.s32 $0x0  }
0x30: {  	s26 =	simm.s32 $0x3;
	v12 =	vadd.s32 s20, v0  }
0x31: {  	_ =	swait.ge [sflag:s11], $0x2000;
	s21 =	simm.s32 $0x2;
	v13 =	vadd.s32 s26, v0;
	v22 =	vand.u32 $0x7F, v12  }
0x32: {  	p1 =	seq.s32 s18, $0x0;
	s28 =	simm.s32 $0x1;
	[sflag:s11] =	ssyncset.done $0x0;
	v15 =	vadd.s32 s21, v0;
	v19 =	vand.u32 $0x7F, v13;
	v14 =	vor.u32 v1, v22  }
0x33: {  	s20 =	simm.s32 @!p1 $0x3;
	v17 =	vadd.s32 s28, v0;
	[sflag:s11] =	ssyncadd.s32 $0xFFFFE000;
	v23 =	vand.u32 $0x7F, v15;
	v16 =	vor.u32 v1, v19  }
0x34: {  	v12 =	vshll.u32 v12, $0x6;
	v25 =	vand.u32 $0x7F, v17;
	_ =	swait.ge @!p1 [sflag:s20], $0x2000;
	v18 =	vor.u32 v1, v23  }
0x35: {  	v13 =	vshll.u32 v13, $0x6;
	v28 =	vand.u32 $0x1F80, v12;
	v12 =	vor.u32 v1, v25;
	[sflag:s20] =	ssyncset.done @!p1 $0x0  }
0x36: {  	v15 =	vshll.u32 v15, $0x6;
	v17 =	vshll.u32 v17, $0x6;
	v32 =	vand.u32 $0x1FC0, v13;
	[sflag:s20] =	ssyncadd.s32 @!p1 $0xFFFFE000  }
0x37: {  	v26 =	vand.u32 $0x1F80, v15;
	v13 =	vor.u32 v4, v22;
	v20 =	vor.u32 v2, v28;
	v14 =	vld.idx.msk [tilespmem:v14+s1+$0x0], $0xffff  }
0x38: {  	v29 =	vand.u32 $0x1FC0, v17;
	v17 =	vor.u32 v4, v23;
	v15 =	vld.idx.msk [tilespmem:v16+s1+$0x0], $0xffff;
	v16 =	vor.u32 v0, v32  }
0x39: {  	v24 =	vor.u32 v4, v19;
	v31 =	vor.u32 v5, v23;
	v21 =	vor.u32 v2, v26;
	v18 =	vld.idx.msk [tilespmem:v18+s1+$0x0], $0xffff  }
0x3a: {  	v34 =	vor.u32 v5, v25;
	v35 =	vor.u32 v5, v19;
	v30 =	vor.u32 v0, v29;
	v27 =	vld.idx.msk [tilespmem:v12+s1+$0x0], $0xffff  }
0x3b: {  	s31 =	simm.s32 $0x6;
	v48 =	vor.u32 v7, v19;
	v63 =	vor.u32 v7, v23;
	v37 =	vor.u32 v6, v28  }
0x3c: {  	v40 =	vadd.s32 s31, v0;
	v39 =	vor.u32 v10, v32;
	[tilespmem:v20+s12+$0x0] =	vst.idx.msk $0xffff, v14;
	v14 =	vor.u32 v4, v25  }
0x3d: {  	v33 =	vor.u32 v3, v28;
	v36 =	vor.u32 v9, v29;
	[tilespmem:v16+s12+$0x0] =	vst.idx.msk $0xffff, v15;
	v20 =	vld.idx.msk [tilespmem:v13+s1+$0x0], $0xffff  }
0x3e: {  	s29 =	simm.s32 $0x4;
	s22 =	simm.s32 $0x7;
	v16 =	vor.u32 v5, v22;
	[tilespmem:v21+s12+$0x0] =	vst.idx.msk $0xffff, v18;
	v21 =	vld.idx.msk [tilespmem:v24+s1+$0x0], $0xffff;
	v24 =	vor.u32 v9, v32  }
0x3f: {  	v41 =	vadd.s32 s22, v0;
	[tilespmem:v30+s12+$0x0] =	vst.idx.msk $0xffff, v27;
	v27 =	vor.u32 v3, v26;
	v30 =	vadd.s32 s29, v0;
	v38 =	vld.idx.msk [tilespmem:v17+s1+$0x0], $0xffff  }
0x40: {  	s30 =	simm.s32 $0x5;
	v47 =	vor.u32 v6, v26;
	v49 =	vor.u32 v10, v29;
	v15 =	vand.u32 $0x7F, v30  }
0x41: {  	v23 =	vor.u32 v8, v28;
	v17 =	vadd.s32 s30, v0;
	v44 =	vor.u32 v1, v15;
	v42 =	vld.idx.msk [tilespmem:v14+s1+$0x0], $0xffff  }
0x42: {  	v12 =	vor.u32 v8, v26;
	v18 =	vand.u32 $0x7F, v41;
	v13 =	vand.u32 $0x7F, v17;
	[tilespmem:v33+s12+$0x0] =	vst.idx.msk $0xffff, v20  }
0x43: {  	v25 =	vor.u32 v7, v25;
	v60 =	vor.u32 v1, v13;
	[tilespmem:v24+s12+$0x0] =	vst.idx.msk $0xffff, v21;
	v45 =	vld.idx.msk [tilespmem:v16+s1+$0x0], $0xffff  }
0x44: {  	v61 =	vor.u32 v1, v18;
	v30 =	vshll.u32 v30, $0x6;
	v14 =	vand.u32 $0x7F, v40;
	[tilespmem:v27+s12+$0x0] =	vst.idx.msk $0xffff, v38;
	v46 =	vld.idx.msk [tilespmem:v35+s1+$0x0], $0xffff  }
0x45: {  	v32 =	vor.u32 v11, v32;
	v43 =	vor.u32 v1, v14;
	v20 =	vshll.u32 v40, $0x6;
	v62 =	vld.idx.msk [tilespmem:v31+s1+$0x0], $0xffff  }
0x46: {  	v24 =	vor.u32 v4, v14;
	v33 =	vor.u32 v4, v15;
	v31 =	vld.idx.msk [tilespmem:v44+s1+$0x0], $0xffff;
	[tilespmem:v36+s12+$0x0] =	vst.idx.msk $0xffff, v42  }
0x47: {  	v16 =	vshll.u32 v17, $0x6;
	v21 =	vand.u32 $0x1F80, v20;
	v17 =	vand.u32 $0x1F80, v30;
	v42 =	vld.idx.msk [tilespmem:v34+s1+$0x0], $0xffff  }
0x48: {  	v20 =	vshll.u32 v41, $0x6;
	v16 =	vand.u32 $0x1FC0, v16;
	v35 =	vor.u32 v2, v17;
	v30 =	vld.idx.msk [tilespmem:v60+s1+$0x0], $0xffff  }
0x49: {  	v20 =	vand.u32 $0x1FC0, v20;
	v36 =	vld.idx.msk [tilespmem:v61+s1+$0x0], $0xffff;
	v34 =	vor.u32 v0, v16;
	[tilespmem:v37+s12+$0x0] =	vst.idx.msk $0xffff, v45  }
0x4a: {  	v27 =	vor.u32 v7, v22;
	v38 =	vor.u32 v0, v20;
	v37 =	vld.idx.msk [tilespmem:v43+s1+$0x0], $0xffff;
	[tilespmem:v39+s12+$0x0] =	vst.idx.msk $0xffff, v46  }
0x4b: {  	v22 =	vor.u32 v11, v29;
	v26 =	vor.u32 v2, v21;
	[tilespmem:v47+s12+$0x0] =	vst.idx.msk $0xffff, v62;
	v29 =	vld.idx.msk [tilespmem:v48+s1+$0x0], $0xffff  }
0x4c: {  	s20 =	simm.s32 $0x8;
	v19 =	vor.u32 v8, v21;
	v39 =	vor.u32 v4, v18;
	v28 =	vld.idx.msk [tilespmem:v63+s1+$0x0], $0xffff;
	[tilespmem:v49+s12+$0x0] =	vst.idx.msk $0xffff, v42  }
.LBB2_4:
0x4d: {  	p1 =	slt.u32 s20, $0x7C;
	[tilespmem:v35+s12+$0x0] =	vst.idx.msk $0xffff, v31;
	v40 =	vor.u32 v6, v17;
	v41 =	vor.u32 v10, v20;
	v25 =	vld.idx.msk [tilespmem:v25+s1+$0x0], $0xffff;
	s21 =	smov.u32 s20;
	s20 =	sadd.s32 $0x4, s20  }
0x4e: {  	v31 =	vld.idx.msk [tilespmem:v33+s1+$0x0], $0xffff;
	[tilespmem:v34+s12+$0x0] =	vst.idx.msk $0xffff, v30;
	v30 =	vor.u32 v4, v13;
	v33 =	vor.u32 v5, v14  }
0x4f: {  	v35 =	vor.u32 v5, v13;
	v34 =	vor.u32 v3, v17;
	[tilespmem:v38+s12+$0x0] =	vst.idx.msk $0xffff, v36;
	v27 =	vld.idx.msk [tilespmem:v27+s1+$0x0], $0xffff  }
0x50: {  	v36 =	vor.u32 v5, v15;
	[tilespmem:v26+s12+$0x0] =	vst.idx.msk $0xffff, v37;
	v26 =	vor.u32 v5, v18;
	v37 =	vmov v18  }
0x51: {  	v42 =	vor.u32 v3, v21;
	v38 =	vor.u32 v9, v16;
	v39 =	vld.idx.msk [tilespmem:v39+s1+$0x0], $0xffff;
	[tilespmem:v32+s12+$0x0] =	vst.idx.msk $0xffff, v29  }
0x52: {  	s22 =	sadd.s32 $0x1, s21;
	s23 =	sadd.s32 $0x2, s21;
	v29 =	vadd.s32 s21, v0;
	s21 =	sadd.s32 $0x3, s21;
	v32 =	vor.u32 v9, v20;
	v24 =	vld.idx.msk [tilespmem:v24+s1+$0x0], $0xffff;
	[tilespmem:v12+s12+$0x0] =	vst.idx.msk $0xffff, v28;
	v28 =	vmov v15  }
0x53: {  	v45 =	vmovc v21;
	v46 =	vmovc v17;
	v43 =	vadd.s32 s23, v0;
	v12 =	vadd.s32 s22, v0;
	v44 =	vadd.s32 s21, v0;
	v30 =	vld.idx.msk [tilespmem:v30+s1+$0x0], $0xffff  }
0x54: {  	v49 =	vmovc v16;
	v50 =	vmovc v20;
	v48 =	vand.u32 $0x7F, v43;
	v47 =	vand.u32 $0x7F, v12;
	v18 =	vand.u32 $0x7F, v44;
	[tilespmem:v34+s12+$0x0] =	vst.idx.msk $0xffff, v31  }
0x55: {  	v51 =	vor.u32 v1, v48;
	v15 =	vand.u32 $0x7F, v29;
	v34 =	vor.u32 v1, v47;
	[tilespmem:v23+s12+$0x0] =	vst.idx.msk $0xffff, v27  }
0x56: {  	v16 =	vshll.u32 v43, $0x6;
	v23 =	vor.u32 v1, v15;
	v27 =	vor.u32 v1, v18;
	[tilespmem:v22+s12+$0x0] =	vst.idx.msk $0xffff, v25  }
0x57: {  	v21 =	vand.u32 $0x1F80, v16;
	v17 =	vshll.u32 v29, $0x6;
	v20 =	vshll.u32 v12, $0x6;
	v12 =	vmovc v19;
	v22 =	vld.idx.msk [tilespmem:v36+s1+$0x0], $0xffff;
	[tilespmem:v32+s12+$0x0] =	vst.idx.msk $0xffff, v39  }
0x58: {  	v17 =	vand.u32 $0x1F80, v17;
	v16 =	vand.u32 $0x1FC0, v20;
	v19 =	vshll.u32 v44, $0x6;
	[tilespmem:v42+s12+$0x0] =	vst.idx.msk $0xffff, v24;
	v29 =	vld.idx.msk [tilespmem:v26+s1+$0x0], $0xffff  }
0x59: {  	v20 =	vand.u32 $0x1FC0, v19;
	v24 =	vor.u32 v4, v48;
	[tilespmem:v38+s12+$0x0] =	vst.idx.msk $0xffff, v30;
	v32 =	vld.idx.msk [tilespmem:v33+s1+$0x0], $0xffff  }
0x5a: {  	v43 =	vor.u32 v10, v49;
	v44 =	vor.u32 v7, v37;
	v39 =	vor.u32 v6, v45;
	v42 =	vld.idx.msk [tilespmem:v35+s1+$0x0], $0xffff  }
0x5b: {  	v25 =	vor.u32 v7, v13;
	v45 =	vor.u32 v7, v14;
	v26 =	vor.u32 v2, v21;
	v31 =	vld.idx.msk [tilespmem:v23+s1+$0x0], $0xffff  }
.Ltmp5:
0x5c: {  	v19 =	vor.u32 v8, v21;
	v13 =	vmovc v47;
	v14 =	vmov v48;
	v35 =	vor.u32 v2, v17;
	v30 =	vld.idx.msk [tilespmem:v34+s1+$0x0], $0xffff;
	(pc) =	sbr.rel @p1 .LBB2_4-.Ltmp5, $4  }
0x5d: {  	v33 =	vor.u32 v4, v15;
	v34 =	vor.u32 v0, v16;
	v36 =	vld.idx.msk [tilespmem:v27+s1+$0x0], $0xffff;
	[tilespmem:v40+s12+$0x0] =	vst.idx.msk $0xffff, v22  }
0x5e: {  	v38 =	vor.u32 v0, v20;
	v27 =	vor.u32 v7, v28;
	v37 =	vld.idx.msk [tilespmem:v51+s1+$0x0], $0xffff;
	[tilespmem:v41+s12+$0x0] =	vst.idx.msk $0xffff, v29  }
0x5f: {  	v23 =	vor.u32 v8, v46;
	v22 =	vor.u32 v11, v49;
	[tilespmem:v39+s12+$0x0] =	vst.idx.msk $0xffff, v32;
	v29 =	vld.idx.msk [tilespmem:v44+s1+$0x0], $0xffff  }
0x60: {  	v39 =	vor.u32 v4, v18;
	v32 =	vor.u32 v11, v50;
	[tilespmem:v43+s12+$0x0] =	vst.idx.msk $0xffff, v42;
	v28 =	vld.idx.msk [tilespmem:v45+s1+$0x0], $0xffff  }
0x61: {  	_ =	sdelay $0x2  }
0x62: {  	v40 =	vor.u32 v4, v13  }
0x63: {  	[tilespmem:v35+s12+$0x0] =	vst.idx.msk $0xffff, v31  }
0x64: {  	v45 =	vor.u32 v3, v17;
	[tilespmem:v38+s12+$0x0] =	vst.idx.msk $0xffff, v36;
	v33 =	vld.idx.msk [tilespmem:v33+s1+$0x0], $0xffff  }
0x65: {  	v61 =	vor.u32 v9, v20;
	v46 =	vor.u32 v5, v15;
	[tilespmem:v26+s12+$0x0] =	vst.idx.msk $0xffff, v37;
	v60 =	vld.idx.msk [tilespmem:v39+s1+$0x0], $0xffff  }
0x66: {  	v62 =	vor.u32 v5, v18;
	v63 =	vor.u32 v3, v21;
	[tilespmem:v34+s12+$0x0] =	vst.idx.msk $0xffff, v30;
	v24 =	vld.idx.msk [tilespmem:v24+s1+$0x0], $0xffff  }
0x67: {  	v44 =	vor.u32 v5, v14;
	v47 =	vor.u32 v9, v16;
	v48 =	vld.idx.msk [tilespmem:v40+s1+$0x0], $0xffff  }
0x68: {  	v49 =	vor.u32 v5, v13  }
0x69: {  	[tilespmem:v45+s12+$0x0] =	vst.idx.msk $0xffff, v33  }
0x6a: {  	v54 =	vor.u32 v6, v17;
	[tilespmem:v61+s12+$0x0] =	vst.idx.msk $0xffff, v60;
	v33 =	vld.idx.msk [tilespmem:v46+s1+$0x0], $0xffff  }
0x6b: {  	v50 =	vor.u32 v10, v20;
	v58 =	vor.u32 v7, v15;
	[tilespmem:v63+s12+$0x0] =	vst.idx.msk $0xffff, v24;
	v51 =	vld.idx.msk [tilespmem:v62+s1+$0x0], $0xffff  }
0x6c: {  	v52 =	vor.u32 v6, v21;
	v53 =	vor.u32 v7, v18;
	v30 =	vld.idx.msk [tilespmem:v44+s1+$0x0], $0xffff;
	[tilespmem:v47+s12+$0x0] =	vst.idx.msk $0xffff, v48  }
0x6d: {  	v55 =	vor.u32 v7, v14;
	v57 =	vor.u32 v10, v16;
	[tilespmem:v32+s12+$0x0] =	vst.idx.msk $0xffff, v29;
	v56 =	vld.idx.msk [tilespmem:v49+s1+$0x0], $0xffff  }
0x6e: {  	v27 =	vld.idx.msk [tilespmem:v27+s1+$0x0], $0xffff;
	v59 =	vor.u32 v7, v13;
	[tilespmem:v12+s12+$0x0] =	vst.idx.msk $0xffff, v28  }
0x6f: {  	v60 =	vld.idx.msk [tilespmem:v25+s1+$0x0], $0xffff;
	[tilespmem:v54+s12+$0x0] =	vst.idx.msk $0xffff, v33  }
0x70: {  	v62 =	vor.u32 v8, v17;
	[tilespmem:v50+s12+$0x0] =	vst.idx.msk $0xffff, v51;
	v15 =	vld.idx.msk [tilespmem:v58+s1+$0x0], $0xffff  }
0x71: {  	v61 =	vor.u32 v11, v20;
	[tilespmem:v52+s12+$0x0] =	vst.idx.msk $0xffff, v30;
	v18 =	vld.idx.msk [tilespmem:v53+s1+$0x0], $0xffff  }
0x72: {  	v14 =	vld.idx.msk [tilespmem:v55+s1+$0x0], $0xffff;
	[tilespmem:v57+s12+$0x0] =	vst.idx.msk $0xffff, v56  }
0x73: {  	[tilespmem:v23+s12+$0x0] =	vst.idx.msk $0xffff, v27;
	v63 =	vor.u32 v11, v16;
	v12 =	vld.idx.msk [tilespmem:v59+s1+$0x0], $0xffff  }
0x74: {  	[tilespmem:v22+s12+$0x0] =	vst.idx.msk $0xffff, v60  }
0x75: {  	[tilespmem:v62+s12+$0x0] =	vst.idx.msk $0xffff, v15  }
0x76: {  	[tilespmem:v61+s12+$0x0] =	vst.idx.msk $0xffff, v18  }
0x77: {  	[tilespmem:v19+s12+$0x0] =	vst.idx.msk $0xffff, v14  }
0x78: {  	[tilespmem:v63+s12+$0x0] =	vst.idx.msk $0xffff, v12  }
.LBB2_6:
0x79: {  	s20 =	sadd.s32 $0x2, s19  }
0x7a: {  	p1 =	sge.u32 s20, s4  }
0x7b: {  	s20 =	sshll.u32 @!p1 s20, $0xC;
	s21 =	simm.s32 @!p1 $0x400  }
0x7c: {  	s22 =	simm.s32 @!p1 $0xC3800;
	s23 =	simm.s32 @!p1 $0x0;
	s20 =	sadd.s32 @!p1 s20, s3  }
0x7d: {  	[tilespmem:s23], [sflag:$0x1] =	stream.strided.gather @!p1 [hbm4b:s20+s21], $0x2000, s22, s21, $0x38;
	[tilespmem:$0x8000] =	vst v63  }
0x7e: {  	p1 =	sge.u32 s19, s4  }
0x7f: {  	s20 =	sshll.u32 @!p1 s18, $0x10  }
0x80: {  	s21 =	simm.s32 @!p1 $0x0;
	s22 =	simm.s32 @!p1 $0x4000;
	s20 =	sadd.s32 @!p1 s20, s6  }
0x81: {  	[hbm4b:s20+s21] =	stream.linear.scatter @!p1 [tilespmem:s22], [sflag:$0x3], $0x2000, $0x38;
	[tilespmem:$0x8000] =	vst v63  }
0x82: {  	s20 =	sor.u32 $0x1, s19  }
0x83: {  	p1 =	sge.u32 s20, s4  }
.Ltmp6:
0x84: {  	_ = 	snop;
	(pc) =	sbr.rel @p1 .LBB2_10-.Ltmp6, $1  }
0x85: {  	_ =	sdelay $0x3  }
0x86: {  	s21 =	simm.s32 $0x0  }
0x87: {  	s26 =	simm.s32 $0x3;
	v12 =	vadd.s32 s21, v0  }
0x88: {  	_ =	swait.ge [sflag:s13], $0x2000;
	s22 =	simm.s32 $0x2;
	v13 =	vadd.s32 s26, v0;
	v22 =	vand.u32 $0x7F, v12  }
0x89: {  	s28 =	simm.s32 $0x1;
	[sflag:s13] =	ssyncset.done $0x0;
	v15 =	vadd.s32 s22, v0;
	v19 =	vand.u32 $0x7F, v13;
	v14 =	vor.u32 v1, v22  }
0x8a: {  	s21 =	simm.s32 @p0 $0x4;
	v17 =	vadd.s32 s28, v0;
	[sflag:s13] =	ssyncadd.s32 $0xFFFFE000;
	v23 =	vand.u32 $0x7F, v15;
	v16 =	vor.u32 v1, v19  }
0x8b: {  	v12 =	vshll.u32 v12, $0x6;
	v25 =	vand.u32 $0x7F, v17;
	_ =	swait.ge @p0 [sflag:s21], $0x2000;
	v18 =	vor.u32 v1, v23  }
0x8c: {  	v13 =	vshll.u32 v13, $0x6;
	v28 =	vand.u32 $0x1F80, v12;
	v12 =	vor.u32 v1, v25;
	[sflag:s21] =	ssyncset.done @p0 $0x0  }
0x8d: {  	v15 =	vshll.u32 v15, $0x6;
	v17 =	vshll.u32 v17, $0x6;
	v32 =	vand.u32 $0x1FC0, v13;
	[sflag:s21] =	ssyncadd.s32 @p0 $0xFFFFE000  }
0x8e: {  	v26 =	vand.u32 $0x1F80, v15;
	v13 =	vor.u32 v4, v22;
	v20 =	vor.u32 v2, v28;
	v14 =	vld.idx.msk [tilespmem:v14+s10+$0x0], $0xffff  }
0x8f: {  	v29 =	vand.u32 $0x1FC0, v17;
	v17 =	vor.u32 v4, v23;
	v15 =	vld.idx.msk [tilespmem:v16+s10+$0x0], $0xffff;
	v16 =	vor.u32 v0, v32  }
0x90: {  	v24 =	vor.u32 v4, v19;
	v31 =	vor.u32 v5, v23;
	v21 =	vor.u32 v2, v26;
	v18 =	vld.idx.msk [tilespmem:v18+s10+$0x0], $0xffff  }
0x91: {  	v34 =	vor.u32 v5, v25;
	v35 =	vor.u32 v5, v19;
	v30 =	vor.u32 v0, v29;
	v27 =	vld.idx.msk [tilespmem:v12+s10+$0x0], $0xffff  }
0x92: {  	s31 =	simm.s32 $0x6;
	v48 =	vor.u32 v7, v19;
	v63 =	vor.u32 v7, v23;
	v37 =	vor.u32 v6, v28  }
0x93: {  	v40 =	vadd.s32 s31, v0;
	v39 =	vor.u32 v10, v32;
	[tilespmem:v20+s14+$0x0] =	vst.idx.msk $0xffff, v14;
	v14 =	vor.u32 v4, v25  }
0x94: {  	v33 =	vor.u32 v3, v28;
	v36 =	vor.u32 v9, v29;
	[tilespmem:v16+s14+$0x0] =	vst.idx.msk $0xffff, v15;
	v20 =	vld.idx.msk [tilespmem:v13+s10+$0x0], $0xffff  }
0x95: {  	s29 =	simm.s32 $0x4;
	s23 =	simm.s32 $0x7;
	v16 =	vor.u32 v5, v22;
	[tilespmem:v21+s14+$0x0] =	vst.idx.msk $0xffff, v18;
	v21 =	vld.idx.msk [tilespmem:v24+s10+$0x0], $0xffff;
	v24 =	vor.u32 v9, v32  }
0x96: {  	v41 =	vadd.s32 s23, v0;
	[tilespmem:v30+s14+$0x0] =	vst.idx.msk $0xffff, v27;
	v27 =	vor.u32 v3, v26;
	v30 =	vadd.s32 s29, v0;
	v38 =	vld.idx.msk [tilespmem:v17+s10+$0x0], $0xffff  }
0x97: {  	s30 =	simm.s32 $0x5;
	v47 =	vor.u32 v6, v26;
	v49 =	vor.u32 v10, v29;
	v15 =	vand.u32 $0x7F, v30  }
0x98: {  	v23 =	vor.u32 v8, v28;
	v17 =	vadd.s32 s30, v0;
	v44 =	vor.u32 v1, v15;
	v42 =	vld.idx.msk [tilespmem:v14+s10+$0x0], $0xffff  }
0x99: {  	v12 =	vor.u32 v8, v26;
	v18 =	vand.u32 $0x7F, v41;
	v13 =	vand.u32 $0x7F, v17;
	[tilespmem:v33+s14+$0x0] =	vst.idx.msk $0xffff, v20  }
0x9a: {  	v25 =	vor.u32 v7, v25;
	v60 =	vor.u32 v1, v13;
	[tilespmem:v24+s14+$0x0] =	vst.idx.msk $0xffff, v21;
	v45 =	vld.idx.msk [tilespmem:v16+s10+$0x0], $0xffff  }
0x9b: {  	v61 =	vor.u32 v1, v18;
	v30 =	vshll.u32 v30, $0x6;
	v14 =	vand.u32 $0x7F, v40;
	[tilespmem:v27+s14+$0x0] =	vst.idx.msk $0xffff, v38;
	v46 =	vld.idx.msk [tilespmem:v35+s10+$0x0], $0xffff  }
0x9c: {  	v32 =	vor.u32 v11, v32;
	v43 =	vor.u32 v1, v14;
	v20 =	vshll.u32 v40, $0x6;
	v62 =	vld.idx.msk [tilespmem:v31+s10+$0x0], $0xffff  }
0x9d: {  	v24 =	vor.u32 v4, v14;
	v33 =	vor.u32 v4, v15;
	v31 =	vld.idx.msk [tilespmem:v44+s10+$0x0], $0xffff;
	[tilespmem:v36+s14+$0x0] =	vst.idx.msk $0xffff, v42  }
0x9e: {  	v16 =	vshll.u32 v17, $0x6;
	v21 =	vand.u32 $0x1F80, v20;
	v17 =	vand.u32 $0x1F80, v30;
	v42 =	vld.idx.msk [tilespmem:v34+s10+$0x0], $0xffff  }
0x9f: {  	v20 =	vshll.u32 v41, $0x6;
	v16 =	vand.u32 $0x1FC0, v16;
	v35 =	vor.u32 v2, v17;
	v30 =	vld.idx.msk [tilespmem:v60+s10+$0x0], $0xffff  }
0xa0: {  	v20 =	vand.u32 $0x1FC0, v20;
	v36 =	vld.idx.msk [tilespmem:v61+s10+$0x0], $0xffff;
	v34 =	vor.u32 v0, v16;
	[tilespmem:v37+s14+$0x0] =	vst.idx.msk $0xffff, v45  }
0xa1: {  	v27 =	vor.u32 v7, v22;
	v38 =	vor.u32 v0, v20;
	v37 =	vld.idx.msk [tilespmem:v43+s10+$0x0], $0xffff;
	[tilespmem:v39+s14+$0x0] =	vst.idx.msk $0xffff, v46  }
0xa2: {  	v22 =	vor.u32 v11, v29;
	v26 =	vor.u32 v2, v21;
	[tilespmem:v47+s14+$0x0] =	vst.idx.msk $0xffff, v62;
	v29 =	vld.idx.msk [tilespmem:v48+s10+$0x0], $0xffff  }
0xa3: {  	s21 =	simm.s32 $0x8;
	v19 =	vor.u32 v8, v21;
	v39 =	vor.u32 v4, v18;
	v28 =	vld.idx.msk [tilespmem:v63+s10+$0x0], $0xffff;
	[tilespmem:v49+s14+$0x0] =	vst.idx.msk $0xffff, v42  }
.LBB2_8:
0xa4: {  	p0 =	slt.u32 s21, $0x7C;
	[tilespmem:v35+s14+$0x0] =	vst.idx.msk $0xffff, v31;
	v40 =	vor.u32 v6, v17;
	v41 =	vor.u32 v10, v20;
	v25 =	vld.idx.msk [tilespmem:v25+s10+$0x0], $0xffff;
	s22 =	smov.u32 s21;
	s21 =	sadd.s32 $0x4, s21  }
0xa5: {  	v31 =	vld.idx.msk [tilespmem:v33+s10+$0x0], $0xffff;
	[tilespmem:v34+s14+$0x0] =	vst.idx.msk $0xffff, v30;
	v30 =	vor.u32 v4, v13;
	v33 =	vor.u32 v5, v14  }
0xa6: {  	v35 =	vor.u32 v5, v13;
	v34 =	vor.u32 v3, v17;
	[tilespmem:v38+s14+$0x0] =	vst.idx.msk $0xffff, v36;
	v27 =	vld.idx.msk [tilespmem:v27+s10+$0x0], $0xffff  }
0xa7: {  	v36 =	vor.u32 v5, v15;
	[tilespmem:v26+s14+$0x0] =	vst.idx.msk $0xffff, v37;
	v26 =	vor.u32 v5, v18;
	v37 =	vmov v18  }
0xa8: {  	v42 =	vor.u32 v3, v21;
	v38 =	vor.u32 v9, v16;
	v39 =	vld.idx.msk [tilespmem:v39+s10+$0x0], $0xffff;
	[tilespmem:v32+s14+$0x0] =	vst.idx.msk $0xffff, v29  }
0xa9: {  	s23 =	sadd.s32 $0x1, s22;
	s24 =	sadd.s32 $0x2, s22;
	v29 =	vadd.s32 s22, v0;
	s22 =	sadd.s32 $0x3, s22;
	v32 =	vor.u32 v9, v20;
	v24 =	vld.idx.msk [tilespmem:v24+s10+$0x0], $0xffff;
	[tilespmem:v12+s14+$0x0] =	vst.idx.msk $0xffff, v28;
	v28 =	vmov v15  }
0xaa: {  	v45 =	vmovc v21;
	v46 =	vmovc v17;
	v43 =	vadd.s32 s24, v0;
	v12 =	vadd.s32 s23, v0;
	v44 =	vadd.s32 s22, v0;
	v30 =	vld.idx.msk [tilespmem:v30+s10+$0x0], $0xffff  }
0xab: {  	v49 =	vmovc v16;
	v50 =	vmovc v20;
	v48 =	vand.u32 $0x7F, v43;
	v47 =	vand.u32 $0x7F, v12;
	v18 =	vand.u32 $0x7F, v44;
	[tilespmem:v34+s14+$0x0] =	vst.idx.msk $0xffff, v31  }
0xac: {  	v51 =	vor.u32 v1, v48;
	v15 =	vand.u32 $0x7F, v29;
	v34 =	vor.u32 v1, v47;
	[tilespmem:v23+s14+$0x0] =	vst.idx.msk $0xffff, v27  }
0xad: {  	v16 =	vshll.u32 v43, $0x6;
	v23 =	vor.u32 v1, v15;
	v27 =	vor.u32 v1, v18;
	[tilespmem:v22+s14+$0x0] =	vst.idx.msk $0xffff, v25  }
0xae: {  	v21 =	vand.u32 $0x1F80, v16;
	v17 =	vshll.u32 v29, $0x6;
	v20 =	vshll.u32 v12, $0x6;
	v12 =	vmovc v19;
	v22 =	vld.idx.msk [tilespmem:v36+s10+$0x0], $0xffff;
	[tilespmem:v32+s14+$0x0] =	vst.idx.msk $0xffff, v39  }
0xaf: {  	v17 =	vand.u32 $0x1F80, v17;
	v16 =	vand.u32 $0x1FC0, v20;
	v19 =	vshll.u32 v44, $0x6;
	[tilespmem:v42+s14+$0x0] =	vst.idx.msk $0xffff, v24;
	v29 =	vld.idx.msk [tilespmem:v26+s10+$0x0], $0xffff  }
0xb0: {  	v20 =	vand.u32 $0x1FC0, v19;
	v24 =	vor.u32 v4, v48;
	[tilespmem:v38+s14+$0x0] =	vst.idx.msk $0xffff, v30;
	v32 =	vld.idx.msk [tilespmem:v33+s10+$0x0], $0xffff  }
0xb1: {  	v43 =	vor.u32 v10, v49;
	v44 =	vor.u32 v7, v37;
	v39 =	vor.u32 v6, v45;
	v42 =	vld.idx.msk [tilespmem:v35+s10+$0x0], $0xffff  }
0xb2: {  	v25 =	vor.u32 v7, v13;
	v45 =	vor.u32 v7, v14;
	v26 =	vor.u32 v2, v21;
	v31 =	vld.idx.msk [tilespmem:v23+s10+$0x0], $0xffff  }
.Ltmp7:
0xb3: {  	v19 =	vor.u32 v8, v21;
	v13 =	vmovc v47;
	v14 =	vmov v48;
	v35 =	vor.u32 v2, v17;
	v30 =	vld.idx.msk [tilespmem:v34+s10+$0x0], $0xffff;
	(pc) =	sbr.rel @p0 .LBB2_8-.Ltmp7, $4  }
0xb4: {  	v33 =	vor.u32 v4, v15;
	v34 =	vor.u32 v0, v16;
	v36 =	vld.idx.msk [tilespmem:v27+s10+$0x0], $0xffff;
	[tilespmem:v40+s14+$0x0] =	vst.idx.msk $0xffff, v22  }
0xb5: {  	v38 =	vor.u32 v0, v20;
	v27 =	vor.u32 v7, v28;
	v37 =	vld.idx.msk [tilespmem:v51+s10+$0x0], $0xffff;
	[tilespmem:v41+s14+$0x0] =	vst.idx.msk $0xffff, v29  }
0xb6: {  	v23 =	vor.u32 v8, v46;
	v22 =	vor.u32 v11, v49;
	[tilespmem:v39+s14+$0x0] =	vst.idx.msk $0xffff, v32;
	v29 =	vld.idx.msk [tilespmem:v44+s10+$0x0], $0xffff  }
0xb7: {  	v39 =	vor.u32 v4, v18;
	v32 =	vor.u32 v11, v50;
	[tilespmem:v43+s14+$0x0] =	vst.idx.msk $0xffff, v42;
	v28 =	vld.idx.msk [tilespmem:v45+s10+$0x0], $0xffff  }
0xb8: {  	_ =	sdelay $0x2  }
0xb9: {  	v40 =	vor.u32 v4, v13  }
0xba: {  	[tilespmem:v35+s14+$0x0] =	vst.idx.msk $0xffff, v31  }
0xbb: {  	v45 =	vor.u32 v3, v17;
	[tilespmem:v38+s14+$0x0] =	vst.idx.msk $0xffff, v36;
	v33 =	vld.idx.msk [tilespmem:v33+s10+$0x0], $0xffff  }
0xbc: {  	v61 =	vor.u32 v9, v20;
	v46 =	vor.u32 v5, v15;
	[tilespmem:v26+s14+$0x0] =	vst.idx.msk $0xffff, v37;
	v60 =	vld.idx.msk [tilespmem:v39+s10+$0x0], $0xffff  }
0xbd: {  	v62 =	vor.u32 v5, v18;
	v63 =	vor.u32 v3, v21;
	[tilespmem:v34+s14+$0x0] =	vst.idx.msk $0xffff, v30;
	v24 =	vld.idx.msk [tilespmem:v24+s10+$0x0], $0xffff  }
0xbe: {  	v44 =	vor.u32 v5, v14;
	v47 =	vor.u32 v9, v16;
	v48 =	vld.idx.msk [tilespmem:v40+s10+$0x0], $0xffff  }
0xbf: {  	v49 =	vor.u32 v5, v13  }
0xc0: {  	[tilespmem:v45+s14+$0x0] =	vst.idx.msk $0xffff, v33  }
0xc1: {  	v54 =	vor.u32 v6, v17;
	[tilespmem:v61+s14+$0x0] =	vst.idx.msk $0xffff, v60;
	v33 =	vld.idx.msk [tilespmem:v46+s10+$0x0], $0xffff  }
0xc2: {  	v50 =	vor.u32 v10, v20;
	v58 =	vor.u32 v7, v15;
	[tilespmem:v63+s14+$0x0] =	vst.idx.msk $0xffff, v24;
	v51 =	vld.idx.msk [tilespmem:v62+s10+$0x0], $0xffff  }
0xc3: {  	v52 =	vor.u32 v6, v21;
	v53 =	vor.u32 v7, v18;
	v30 =	vld.idx.msk [tilespmem:v44+s10+$0x0], $0xffff;
	[tilespmem:v47+s14+$0x0] =	vst.idx.msk $0xffff, v48  }
0xc4: {  	v55 =	vor.u32 v7, v14;
	v57 =	vor.u32 v10, v16;
	[tilespmem:v32+s14+$0x0] =	vst.idx.msk $0xffff, v29;
	v56 =	vld.idx.msk [tilespmem:v49+s10+$0x0], $0xffff  }
0xc5: {  	v27 =	vld.idx.msk [tilespmem:v27+s10+$0x0], $0xffff;
	v59 =	vor.u32 v7, v13;
	[tilespmem:v12+s14+$0x0] =	vst.idx.msk $0xffff, v28  }
0xc6: {  	v60 =	vld.idx.msk [tilespmem:v25+s10+$0x0], $0xffff;
	[tilespmem:v54+s14+$0x0] =	vst.idx.msk $0xffff, v33  }
0xc7: {  	v62 =	vor.u32 v8, v17;
	[tilespmem:v50+s14+$0x0] =	vst.idx.msk $0xffff, v51;
	v15 =	vld.idx.msk [tilespmem:v58+s10+$0x0], $0xffff  }
0xc8: {  	v61 =	vor.u32 v11, v20;
	[tilespmem:v52+s14+$0x0] =	vst.idx.msk $0xffff, v30;
	v18 =	vld.idx.msk [tilespmem:v53+s10+$0x0], $0xffff  }
0xc9: {  	v14 =	vld.idx.msk [tilespmem:v55+s10+$0x0], $0xffff;
	[tilespmem:v57+s14+$0x0] =	vst.idx.msk $0xffff, v56  }
0xca: {  	[tilespmem:v23+s14+$0x0] =	vst.idx.msk $0xffff, v27;
	v63 =	vor.u32 v11, v16;
	v12 =	vld.idx.msk [tilespmem:v59+s10+$0x0], $0xffff  }
.Ltmp8:
0xcb: {  	[tilespmem:v22+s14+$0x0] =	vst.idx.msk $0xffff, v60;
	(pc) =	sbr.rel .LBB2_10-.Ltmp8, $4  }
0xcc: {  	[tilespmem:v62+s14+$0x0] =	vst.idx.msk $0xffff, v15  }
0xcd: {  	[tilespmem:v61+s14+$0x0] =	vst.idx.msk $0xffff, v18  }
0xce: {  	[tilespmem:v19+s14+$0x0] =	vst.idx.msk $0xffff, v14  }
0xcf: {  	[tilespmem:v63+s14+$0x0] =	vst.idx.msk $0xffff, v12  }
.LBB2_12:
0xd0: {  	_ =	sfence.sel $0x180000  }
0xd1: {  	[bflag:$0x0] =	sbarrier.arrive $0xFFFF  }
0xd2: {  	p0 =	sne.s32 s2, $0x0;
	_ =	strace $0x90000047  }
0xd3: {  	s0 =	sadd.s32 @!p0 $0x100000, s0;
	[bflag:$0x2] =	sbarrier.arrive $0xFFFF  }
0xd4: {  	[sflag:s0] =	ssyncadd.tile.s32 @!p0 $0x1;
	_ =	shalt  }
.Lfunc_end2:
_tile_overlayer_lowered:
.L_overlay_start_2:
0xd5: {  	(tag) =	ssettag $0x2  }
0xd6: {  	s0 =	rddreg [dreg:$0x0];
	s2 =	stileid.u32  }
0xd7: {  	s1 =	rddreg [dreg:$0x1];
	p0 =	sne.s32 s2, $0x0  }
0xd8: {  	s3 =	rddreg [dreg:$0x2];
	[bflag:$0x3] =	sbarrier.arrive $0xFFFF;
	s2 =	simm.s32 @!p0 $0x1C05  }
0xd9: {  	[timem:s3], [sflag:s2] =	dma.local @!p0 [hbm:s0], s1  }
0xda: {  	s0 =	simm.s32 @!p0 $0x5  }
0xdb: {  	_ =	swait.ge @!p0 [sflag:s0], s1  }
0xdc: {  	s1 =	ssub.s32 @!p0 $0x0, s1;
	[sflag:s0] =	ssyncset.done @!p0 $0x0  }
0xdd: {  	[sflag:s0] =	ssyncadd.s32 @!p0 s1  }
0xde: {  	[bflag:$0x3] =	sbarrier.arrive $0xFFFF  }
0xdf: {  	_ =	shalt  }

</sc_bundles>
